<compile_context>
chip_gen: v7x
topology: tpu7x:2x2x1
jax: 0.10.2.dev20260603
libtpu: 0.0.44.dev20260713+nightly
codegen_flags: <defaults>
</compile_context>

<pallas_src>
import functools

import jax
import jax.numpy as jnp
from jax import lax
from jax.experimental import pallas as pl
from jax.experimental.pallas import tpu as pltpu
from jax.experimental.pallas import tpu_sc as plsc

_NUM_CORES = 2
_NUM_SUBCORES = 16
_NUM_WORKERS = _NUM_CORES * _NUM_SUBCORES


@functools.cache
def _make_sc_gather(n_rows, embed_dim):
    rows_per_worker = n_rows // _NUM_WORKERS
    n_chunks = rows_per_worker // 16
    mesh = plsc.VectorSubcoreMesh(core_axis_name="c", subcore_axis_name="s")

    @functools.partial(
        pl.kernel,
        mesh=mesh,
        out_type=jax.ShapeDtypeStruct((n_rows, embed_dim), jnp.float32),
        scratch_types=[
            pltpu.VMEM((2 * rows_per_worker,), jnp.int32),
            pltpu.VMEM((1, embed_dim), jnp.float32),
        ],
    )
    def gather_rows(pairs_hbm, table_hbm, out_hbm, pairs_v, buf):
        wid = lax.axis_index("s") * _NUM_CORES + lax.axis_index("c")
        pltpu.sync_copy(
            pairs_hbm.at[pl.ds(wid * 2 * rows_per_worker, 2 * rows_per_worker)],
            pairs_v,
        )

        def chunk_body(c, prev):
            svec = pairs_v[pl.ds(c * 16, 16)]
            dvec = pairs_v[pl.ds(rows_per_worker + c * 16, 16)]
            for j in range(16):
                row = svec[j]
                prev_row = prev if j == 0 else svec[j - 1]

                @pl.when(row != prev_row)
                def _():
                    pltpu.sync_copy(table_hbm.at[pl.ds(row, 1)], buf)

                pltpu.sync_copy(buf, out_hbm.at[pl.ds(dvec[j], 1)])
            return svec[15]

        lax.fori_loop(0, n_chunks, chunk_body, jnp.int32(-1))

    return gather_rows


def kernel(prefix, table):
    b, t = prefix.shape
    embed_dim = table.shape[1]
    flat_idx = prefix.reshape(-1).astype(jnp.int32)
    sidx, order = lax.sort_key_val(
        flat_idx, jnp.arange(flat_idx.shape[0], dtype=jnp.int32)
    )
    rpw = (b * t) // _NUM_WORKERS
    pairs = jnp.concatenate(
        [sidx.reshape(_NUM_WORKERS, rpw), order.reshape(_NUM_WORKERS, rpw)],
        axis=1,
    ).reshape(-1)
    out = _make_sc_gather(b * t, embed_dim)(pairs, table)
    return out.reshape(b, t, embed_dim)

# --- scband reference (transcript-rebuilt; emitter-appended) ---
"""Pipeline reference for scband-prefix-encoder-38293928411222 (READ-ONLY COPY).

The authoritative reference and input builder live on the scoring server;
editing this copy changes nothing except your own understanding.
"""

import jax, jax.numpy as jnp
import numpy as np

NUM_VIRTUAL_TOKENS = 64
TOKEN_DIM = 1024
NUM_LAYERS = 24
EMBED_DIM = NUM_LAYERS * 2 * TOKEN_DIM  # 49152
BATCH = 16


def setup_inputs(seed: int = 0) -> dict:
    key = jax.random.key(seed)
    k_tab, k_idx = jax.random.split(key)
    # prefix_projection=False path: single embedding table [num_virtual_tokens, num_layers*2*token_dim]
    table = jax.random.normal(k_tab, (NUM_VIRTUAL_TOKENS, EMBED_DIM), dtype=jnp.float32) * 0.02
    prefix = jax.random.randint(k_idx, (BATCH, NUM_VIRTUAL_TOKENS), 0, NUM_VIRTUAL_TOKENS, dtype=jnp.int64)
    return {"prefix": prefix, "table": table}


def reference(prefix, table):
    # PrefixEncoder with prefix_projection=False: past_key_values = embedding(prefix)
    past_key_values = jnp.take(table, prefix, axis=0)  # [B, num_virtual_tokens, num_layers*2*token_dim]
    return past_key_values

if __name__ == "__main__":
    import jax
    _d = setup_inputs()
    print(jax.jit(kernel)(*tuple(_d.values())))

</pallas_src>

<mosaic_0001>
#map = affine_map<(d0, d1) -> (0)>
#map1 = affine_map<(d0, d1) -> (0, 0)>
module attributes {stable_mosaic.version = 14 : i64} {
  func.func @gather_rows(%arg0: i32, %arg1: i32, %arg2: memref<2048xi32, #tpu.memory_space<hbm>>, %arg3: memref<64x49152xf32, #tpu.memory_space<hbm>>, %arg4: memref<1024x49152xf32, #tpu.memory_space<hbm>>, %arg5: memref<64xi32, #tpu.memory_space<vmem>>, %arg6: memref<1x49152xf32, #tpu.memory_space<vmem>>) attributes {dimension_semantics = [#tpu.dimension_semantics<core_parallel>, #tpu.dimension_semantics<subcore_parallel>], iteration_bounds = array<i64: 2, 16>, scalar_prefetch = 0 : i64, scratch_operands = 2 : i64, tpu.core_type = #tpu.core_type<sc_vector_subcore>, window_params = [{transform_indices = #map}, {transform_indices = #map1}, {transform_indices = #map1}]} {
    %mul3A = arith.constant 2 : i32
    %mul3A_0 = arith.muli %arg1, %mul3A : i32
    %add3A = arith.addi %mul3A_0, %arg0 : i32
    %mul3A_1 = arith.constant 2 : i32
    %mul3A_2 = arith.muli %add3A, %mul3A_1 : i32
    %mul3A_3 = arith.constant 32 : i32
    %mul3A_4 = arith.muli %mul3A_2, %mul3A_3 : i32
    "tpu.region"() ({
      %run_scoped3A = tpu.sem_alloc : memref<!tpu.dma_semaphore, #tpu.memory_space<semaphore_mem>>
      %dma_start3A = tpu.memref_slice %arg2[%mul3A_4] : memref<2048xi32, #tpu.memory_space<hbm>> -> memref<64xi32, #tpu.memory_space<hbm>>
      %dma_start3A_11 = tpu.memref_slice %arg2[%mul3A_4] : memref<2048xi32, #tpu.memory_space<hbm>> -> memref<64xi32, #tpu.memory_space<hbm>>
      tpu.enqueue_dma source(%dma_start3A_11 : memref<64xi32, #tpu.memory_space<hbm>>) target(%arg5 : memref<64xi32, #tpu.memory_space<vmem>>) target_semaphore(%run_scoped3A : memref<!tpu.dma_semaphore, #tpu.memory_space<semaphore_mem>>)
      %dma_wait3A = tpu.memref_slice %arg2[%mul3A_4] : memref<2048xi32, #tpu.memory_space<hbm>> -> memref<64xi32, #tpu.memory_space<hbm>>
      %dma_wait3A_12 = tpu.memref_slice %arg2[%mul3A_4] : memref<2048xi32, #tpu.memory_space<hbm>> -> memref<64xi32, #tpu.memory_space<hbm>>
      tpu.wait_dma2 semaphore(%run_scoped3A : memref<!tpu.dma_semaphore, #tpu.memory_space<semaphore_mem>>) src(%dma_wait3A_12 : memref<64xi32, #tpu.memory_space<hbm>>) dst(%arg5 : memref<64xi32, #tpu.memory_space<vmem>>)
      tpu.yield
    }) : () -> ()
    %scan3A = arith.constant -1 : i32
    %scan3A_5 = arith.constant 0 : i32
    %scan3A_6 = arith.constant 2 : i32
    %scan3A_7 = arith.addi %scan3A_5, %scan3A_6 : i32
    %scan3A_8 = arith.constant 1 : i32
    %scan3A_9 = scf.for %scan3A_11 = %scan3A_5 to %scan3A_7 step %scan3A_8 iter_args(%scan3A_12 = %scan3A) -> (i32)  : i32 {
      %mul3A_13 = arith.constant 16 : i32
      %mul3A_14 = arith.muli %scan3A_11, %mul3A_13 : i32
      %get3A = arith.index_cast %mul3A_14 : i32 to index
      %get3A_15 = tpu.vector_load %arg5[%get3A] {strides = array<i32>} : memref<64xi32, #tpu.memory_space<vmem>>, vector<16xi32>,
      %get3A_16 = vector.shape_cast %get3A_15 : vector<16xi32> to vector<16xi32>
      %mul3A_17 = arith.constant 16 : i32
      %mul3A_18 = arith.muli %scan3A_11, %mul3A_17 : i32
      %add3A_19 = arith.constant 32 : i32
      %add3A_20 = arith.addi %add3A_19, %mul3A_18 : i32
      %get3A_21 = arith.index_cast %add3A_20 : i32 to index
      %get3A_22 = tpu.vector_load %arg5[%get3A_21] {strides = array<i32>} : memref<64xi32, #tpu.memory_space<vmem>>, vector<16xi32>,
      %get3A_23 = vector.shape_cast %get3A_22 : vector<16xi32> to vector<16xi32>
      %slice3A = vector.extract_strided_slice %get3A_16 {offsets = [0], sizes = [1], strides = [1]} : vector<16xi32> to vector<1xi32>
      %squeeze3A = vector.extract %slice3A[0] : i32 from vector<1xi32>
      %ne3A = arith.cmpi ne, %squeeze3A, %scan3A_12 : i32
      %convert_element_type3A = arith.extui %ne3A : i1 to i32
      %cond3A = arith.constant 0 : i32
      %cond3A_24 = arith.cmpi ne, %convert_element_type3A, %cond3A : i32
      scf.if %cond3A_24 {
        "tpu.region"() ({
          %run_scoped3A = tpu.sem_alloc : memref<!tpu.dma_semaphore, #tpu.memory_space<semaphore_mem>>
          %dma_start3A = arith.constant 0 : i32
          %dma_start3A_179 = tpu.memref_slice %arg3[%squeeze3A, %dma_start3A] : memref<64x49152xf32, #tpu.memory_space<hbm>> -> memref<1x49152xf32, #tpu.memory_space<hbm>>
          %dma_start3A_180 = arith.constant 0 : i32
          %dma_start3A_181 = tpu.memref_slice %arg3[%squeeze3A, %dma_start3A_180] : memref<64x49152xf32, #tpu.memory_space<hbm>> -> memref<1x49152xf32, #tpu.memory_space<hbm>>
          tpu.enqueue_dma source(%dma_start3A_181 : memref<1x49152xf32, #tpu.memory_space<hbm>>) target(%arg6 : memref<1x49152xf32, #tpu.memory_space<vmem>>) target_semaphore(%run_scoped3A : memref<!tpu.dma_semaphore, #tpu.memory_space<semaphore_mem>>)
          %dma_wait3A = arith.constant 0 : i32
          %dma_wait3A_182 = tpu.memref_slice %arg3[%squeeze3A, %dma_wait3A] : memref<64x49152xf32, #tpu.memory_space<hbm>> -> memref<1x49152xf32, #tpu.memory_space<hbm>>
          %dma_wait3A_183 = arith.constant 0 : i32
          %dma_wait3A_184 = tpu.memref_slice %arg3[%squeeze3A, %dma_wait3A_183] : memref<64x49152xf32, #tpu.memory_space<hbm>> -> memref<1x49152xf32, #tpu.memory_space<hbm>>
          tpu.wait_dma2 semaphore(%run_scoped3A : memref<!tpu.dma_semaphore, #tpu.memory_space<semaphore_mem>>) src(%dma_wait3A_184 : memref<1x49152xf32, #tpu.memory_space<hbm>>) dst(%arg6 : memref<1x49152xf32, #tpu.memory_space<vmem>>)
          tpu.yield
        }) : () -> ()
      } else {
      }
      %slice3A_25 = vector.extract_strided_slice %get3A_23 {offsets = [0], sizes = [1], strides = [1]} : vector<16xi32> to vector<1xi32>
      %squeeze3A_26 = vector.extract %slice3A_25[0] : i32 from vector<1xi32>
      "tpu.region"() ({
        %run_scoped3A = tpu.sem_alloc : memref<!tpu.dma_semaphore, #tpu.memory_space<semaphore_mem>>
        %dma_start3A = arith.constant 0 : i32
        %dma_start3A_179 = tpu.memref_slice %arg4[%squeeze3A_26, %dma_start3A] : memref<1024x49152xf32, #tpu.memory_space<hbm>> -> memref<1x49152xf32, #tpu.memory_space<hbm>>
        %dma_start3A_180 = arith.constant 0 : i32
        %dma_start3A_181 = tpu.memref_slice %arg4[%squeeze3A_26, %dma_start3A_180] : memref<1024x49152xf32, #tpu.memory_space<hbm>> -> memref<1x49152xf32, #tpu.memory_space<hbm>>
        tpu.enqueue_dma source(%arg6 : memref<1x49152xf32, #tpu.memory_space<vmem>>) target(%dma_start3A_181 : memref<1x49152xf32, #tpu.memory_space<hbm>>) target_semaphore(%run_scoped3A : memref<!tpu.dma_semaphore, #tpu.memory_space<semaphore_mem>>)
        %dma_wait3A = arith.constant 0 : i32
        %dma_wait3A_182 = tpu.memref_slice %arg4[%squeeze3A_26, %dma_wait3A] : memref<1024x49152xf32, #tpu.memory_space<hbm>> -> memref<1x49152xf32, #tpu.memory_space<hbm>>
        %dma_wait3A_183 = arith.constant 0 : i32
        %dma_wait3A_184 = tpu.memref_slice %arg4[%squeeze3A_26, %dma_wait3A_183] : memref<1024x49152xf32, #tpu.memory_space<hbm>> -> memref<1x49152xf32, #tpu.memory_space<hbm>>
        tpu.wait_dma2 semaphore(%run_scoped3A : memref<!tpu.dma_semaphore, #tpu.memory_space<semaphore_mem>>) src(%arg6 : memref<1x49152xf32, #tpu.memory_space<vmem>>) dst(%dma_wait3A_184 : memref<1x49152xf32, #tpu.memory_space<hbm>>)
        tpu.yield
      }) : () -> ()
      %slice3A_27 = vector.extract_strided_slice %get3A_16 {offsets = [1], sizes = [1], strides = [1]} : vector<16xi32> to vector<1xi32>
      %squeeze3A_28 = vector.extract %slice3A_27[0] : i32 from vector<1xi32>
      %slice3A_29 = vector.extract_strided_slice %get3A_16 {offsets = [0], sizes = [1], strides = [1]} : vector<16xi32> to vector<1xi32>
      %squeeze3A_30 = vector.extract %slice3A_29[0] : i32 from vector<1xi32>
      %ne3A_31 = arith.cmpi ne, %squeeze3A_28, %squeeze3A_30 : i32
      %convert_element_type3A_32 = arith.extui %ne3A_31 : i1 to i32
      %cond3A_33 = arith.constant 0 : i32
      %cond3A_34 = arith.cmpi ne, %convert_element_type3A_32, %cond3A_33 : i32
      scf.if %cond3A_34 {
        "tpu.region"() ({
          %run_scoped3A = tpu.sem_alloc : memref<!tpu.dma_semaphore, #tpu.memory_space<semaphore_mem>>
          %dma_start3A = arith.constant 0 : i32
          %dma_start3A_179 = tpu.memref_slice %arg3[%squeeze3A_28, %dma_start3A] : memref<64x49152xf32, #tpu.memory_space<hbm>> -> memref<1x49152xf32, #tpu.memory_space<hbm>>
          %dma_start3A_180 = arith.constant 0 : i32
          %dma_start3A_181 = tpu.memref_slice %arg3[%squeeze3A_28, %dma_start3A_180] : memref<64x49152xf32, #tpu.memory_space<hbm>> -> memref<1x49152xf32, #tpu.memory_space<hbm>>
          tpu.enqueue_dma source(%dma_start3A_181 : memref<1x49152xf32, #tpu.memory_space<hbm>>) target(%arg6 : memref<1x49152xf32, #tpu.memory_space<vmem>>) target_semaphore(%run_scoped3A : memref<!tpu.dma_semaphore, #tpu.memory_space<semaphore_mem>>)
          %dma_wait3A = arith.constant 0 : i32
          %dma_wait3A_182 = tpu.memref_slice %arg3[%squeeze3A_28, %dma_wait3A] : memref<64x49152xf32, #tpu.memory_space<hbm>> -> memref<1x49152xf32, #tpu.memory_space<hbm>>
          %dma_wait3A_183 = arith.constant 0 : i32
          %dma_wait3A_184 = tpu.memref_slice %arg3[%squeeze3A_28, %dma_wait3A_183] : memref<64x49152xf32, #tpu.memory_space<hbm>> -> memref<1x49152xf32, #tpu.memory_space<hbm>>
          tpu.wait_dma2 semaphore(%run_scoped3A : memref<!tpu.dma_semaphore, #tpu.memory_space<semaphore_mem>>) src(%dma_wait3A_184 : memref<1x49152xf32, #tpu.memory_space<hbm>>) dst(%arg6 : memref<1x49152xf32, #tpu.memory_space<vmem>>)
          tpu.yield
        }) : () -> ()
      } else {
      }
      %slice3A_35 = vector.extract_strided_slice %get3A_23 {offsets = [1], sizes = [1], strides = [1]} : vector<16xi32> to vector<1xi32>
      %squeeze3A_36 = vector.extract %slice3A_35[0] : i32 from vector<1xi32>
      "tpu.region"() ({
        %run_scoped3A = tpu.sem_alloc : memref<!tpu.dma_semaphore, #tpu.memory_space<semaphore_mem>>
        %dma_start3A = arith.constant 0 : i32
        %dma_start3A_179 = tpu.memref_slice %arg4[%squeeze3A_36, %dma_start3A] : memref<1024x49152xf32, #tpu.memory_space<hbm>> -> memref<1x49152xf32, #tpu.memory_space<hbm>>
        %dma_start3A_180 = arith.constant 0 : i32
        %dma_start3A_181 = tpu.memref_slice %arg4[%squeeze3A_36, %dma_start3A_180] : memref<1024x49152xf32, #tpu.memory_space<hbm>> -> memref<1x49152xf32, #tpu.memory_space<hbm>>
        tpu.enqueue_dma source(%arg6 : memref<1x49152xf32, #tpu.memory_space<vmem>>) target(%dma_start3A_181 : memref<1x49152xf32, #tpu.memory_space<hbm>>) target_semaphore(%run_scoped3A : memref<!tpu.dma_semaphore, #tpu.memory_space<semaphore_mem>>)
        %dma_wait3A = arith.constant 0 : i32
        %dma_wait3A_182 = tpu.memref_slice %arg4[%squeeze3A_36, %dma_wait3A] : memref<1024x49152xf32, #tpu.memory_space<hbm>> -> memref<1x49152xf32, #tpu.memory_space<hbm>>
        %dma_wait3A_183 = arith.constant 0 : i32
        %dma_wait3A_184 = tpu.memref_slice %arg4[%squeeze3A_36, %dma_wait3A_183] : memref<1024x49152xf32, #tpu.memory_space<hbm>> -> memref<1x49152xf32, #tpu.memory_space<hbm>>
        tpu.wait_dma2 semaphore(%run_scoped3A : memref<!tpu.dma_semaphore, #tpu.memory_space<semaphore_mem>>) src(%arg6 : memref<1x49152xf32, #tpu.memory_space<vmem>>) dst(%dma_wait3A_184 : memref<1x49152xf32, #tpu.memory_space<hbm>>)
        tpu.yield
      }) : () -> ()
      %slice3A_37 = vector.extract_strided_slice %get3A_16 {offsets = [2], sizes = [1], strides = [1]} : vector<16xi32> to vector<1xi32>
      %squeeze3A_38 = vector.extract %slice3A_37[0] : i32 from vector<1xi32>
      %slice3A_39 = vector.extract_strided_slice %get3A_16 {offsets = [1], sizes = [1], strides = [1]} : vector<16xi32> to vector<1xi32>
      %squeeze3A_40 = vector.extract %slice3A_39[0] : i32 from vector<1xi32>
      %ne3A_41 = arith.cmpi ne, %squeeze3A_38, %squeeze3A_40 : i32
      %convert_element_type3A_42 = arith.extui %ne3A_41 : i1 to i32
      %cond3A_43 = arith.constant 0 : i32
      %cond3A_44 = arith.cmpi ne, %convert_element_type3A_42, %cond3A_43 : i32
      scf.if %cond3A_44 {
        "tpu.region"() ({
          %run_scoped3A = tpu.sem_alloc : memref<!tpu.dma_semaphore, #tpu.memory_space<semaphore_mem>>
          %dma_start3A = arith.constant 0 : i32
          %dma_start3A_179 = tpu.memref_slice %arg3[%squeeze3A_38, %dma_start3A] : memref<64x49152xf32, #tpu.memory_space<hbm>> -> memref<1x49152xf32, #tpu.memory_space<hbm>>
          %dma_start3A_180 = arith.constant 0 : i32
          %dma_start3A_181 = tpu.memref_slice %arg3[%squeeze3A_38, %dma_start3A_180] : memref<64x49152xf32, #tpu.memory_space<hbm>> -> memref<1x49152xf32, #tpu.memory_space<hbm>>
          tpu.enqueue_dma source(%dma_start3A_181 : memref<1x49152xf32, #tpu.memory_space<hbm>>) target(%arg6 : memref<1x49152xf32, #tpu.memory_space<vmem>>) target_semaphore(%run_scoped3A : memref<!tpu.dma_semaphore, #tpu.memory_space<semaphore_mem>>)
          %dma_wait3A = arith.constant 0 : i32
          %dma_wait3A_182 = tpu.memref_slice %arg3[%squeeze3A_38, %dma_wait3A] : memref<64x49152xf32, #tpu.memory_space<hbm>> -> memref<1x49152xf32, #tpu.memory_space<hbm>>
          %dma_wait3A_183 = arith.constant 0 : i32
          %dma_wait3A_184 = tpu.memref_slice %arg3[%squeeze3A_38, %dma_wait3A_183] : memref<64x49152xf32, #tpu.memory_space<hbm>> -> memref<1x49152xf32, #tpu.memory_space<hbm>>
          tpu.wait_dma2 semaphore(%run_scoped3A : memref<!tpu.dma_semaphore, #tpu.memory_space<semaphore_mem>>) src(%dma_wait3A_184 : memref<1x49152xf32, #tpu.memory_space<hbm>>) dst(%arg6 : memref<1x49152xf32, #tpu.memory_space<vmem>>)
          tpu.yield
        }) : () -> ()
      } else {
      }
      %slice3A_45 = vector.extract_strided_slice %get3A_23 {offsets = [2], sizes = [1], strides = [1]} : vector<16xi32> to vector<1xi32>
      %squeeze3A_46 = vector.extract %slice3A_45[0] : i32 from vector<1xi32>
      "tpu.region"() ({
        %run_scoped3A = tpu.sem_alloc : memref<!tpu.dma_semaphore, #tpu.memory_space<semaphore_mem>>
        %dma_start3A = arith.constant 0 : i32
        %dma_start3A_179 = tpu.memref_slice %arg4[%squeeze3A_46, %dma_start3A] : memref<1024x49152xf32, #tpu.memory_space<hbm>> -> memref<1x49152xf32, #tpu.memory_space<hbm>>
        %dma_start3A_180 = arith.constant 0 : i32
        %dma_start3A_181 = tpu.memref_slice %arg4[%squeeze3A_46, %dma_start3A_180] : memref<1024x49152xf32, #tpu.memory_space<hbm>> -> memref<1x49152xf32, #tpu.memory_space<hbm>>
        tpu.enqueue_dma source(%arg6 : memref<1x49152xf32, #tpu.memory_space<vmem>>) target(%dma_start3A_181 : memref<1x49152xf32, #tpu.memory_space<hbm>>) target_semaphore(%run_scoped3A : memref<!tpu.dma_semaphore, #tpu.memory_space<semaphore_mem>>)
        %dma_wait3A = arith.constant 0 : i32
        %dma_wait3A_182 = tpu.memref_slice %arg4[%squeeze3A_46, %dma_wait3A] : memref<1024x49152xf32, #tpu.memory_space<hbm>> -> memref<1x49152xf32, #tpu.memory_space<hbm>>
        %dma_wait3A_183 = arith.constant 0 : i32
        %dma_wait3A_184 = tpu.memref_slice %arg4[%squeeze3A_46, %dma_wait3A_183] : memref<1024x49152xf32, #tpu.memory_space<hbm>> -> memref<1x49152xf32, #tpu.memory_space<hbm>>
        tpu.wait_dma2 semaphore(%run_scoped3A : memref<!tpu.dma_semaphore, #tpu.memory_space<semaphore_mem>>) src(%arg6 : memref<1x49152xf32, #tpu.memory_space<vmem>>) dst(%dma_wait3A_184 : memref<1x49152xf32, #tpu.memory_space<hbm>>)
        tpu.yield
      }) : () -> ()
      %slice3A_47 = vector.extract_strided_slice %get3A_16 {offsets = [3], sizes = [1], strides = [1]} : vector<16xi32> to vector<1xi32>
      %squeeze3A_48 = vector.extract %slice3A_47[0] : i32 from vector<1xi32>
      %slice3A_49 = vector.extract_strided_slice %get3A_16 {offsets = [2], sizes = [1], strides = [1]} : vector<16xi32> to vector<1xi32>
      %squeeze3A_50 = vector.extract %slice3A_49[0] : i32 from vector<1xi32>
      %ne3A_51 = arith.cmpi ne, %squeeze3A_48, %squeeze3A_50 : i32
      %convert_element_type3A_52 = arith.extui %ne3A_51 : i1 to i32
      %cond3A_53 = arith.constant 0 : i32
      %cond3A_54 = arith.cmpi ne, %convert_element_type3A_52, %cond3A_53 : i32
      scf.if %cond3A_54 {
        "tpu.region"() ({
          %run_scoped3A = tpu.sem_alloc : memref<!tpu.dma_semaphore, #tpu.memory_space<semaphore_mem>>
          %dma_start3A = arith.constant 0 : i32
          %dma_start3A_179 = tpu.memref_slice %arg3[%squeeze3A_48, %dma_start3A] : memref<64x49152xf32, #tpu.memory_space<hbm>> -> memref<1x49152xf32, #tpu.memory_space<hbm>>
          %dma_start3A_180 = arith.constant 0 : i32
          %dma_start3A_181 = tpu.memref_slice %arg3[%squeeze3A_48, %dma_start3A_180] : memref<64x49152xf32, #tpu.memory_space<hbm>> -> memref<1x49152xf32, #tpu.memory_space<hbm>>
          tpu.enqueue_dma source(%dma_start3A_181 : memref<1x49152xf32, #tpu.memory_space<hbm>>) target(%arg6 : memref<1x49152xf32, #tpu.memory_space<vmem>>) target_semaphore(%run_scoped3A : memref<!tpu.dma_semaphore, #tpu.memory_space<semaphore_mem>>)
          %dma_wait3A = arith.constant 0 : i32
          %dma_wait3A_182 = tpu.memref_slice %arg3[%squeeze3A_48, %dma_wait3A] : memref<64x49152xf32, #tpu.memory_space<hbm>> -> memref<1x49152xf32, #tpu.memory_space<hbm>>
          %dma_wait3A_183 = arith.constant 0 : i32
          %dma_wait3A_184 = tpu.memref_slice %arg3[%squeeze3A_48, %dma_wait3A_183] : memref<64x49152xf32, #tpu.memory_space<hbm>> -> memref<1x49152xf32, #tpu.memory_space<hbm>>
          tpu.wait_dma2 semaphore(%run_scoped3A : memref<!tpu.dma_semaphore, #tpu.memory_space<semaphore_mem>>) src(%dma_wait3A_184 : memref<1x49152xf32, #tpu.memory_space<hbm>>) dst(%arg6 : memref<1x49152xf32, #tpu.memory_space<vmem>>)
          tpu.yield
        }) : () -> ()
      } else {
      }
      %slice3A_55 = vector.extract_strided_slice %get3A_23 {offsets = [3], sizes = [1], strides = [1]} : vector<16xi32> to vector<1xi32>
      %squeeze3A_56 = vector.extract %slice3A_55[0] : i32 from vector<1xi32>
      "tpu.region"() ({
        %run_scoped3A = tpu.sem_alloc : memref<!tpu.dma_semaphore, #tpu.memory_space<semaphore_mem>>
        %dma_start3A = arith.constant 0 : i32
        %dma_start3A_179 = tpu.memref_slice %arg4[%squeeze3A_56, %dma_start3A] : memref<1024x49152xf32, #tpu.memory_space<hbm>> -> memref<1x49152xf32, #tpu.memory_space<hbm>>
        %dma_start3A_180 = arith.constant 0 : i32
        %dma_start3A_181 = tpu.memref_slice %arg4[%squeeze3A_56, %dma_start3A_180] : memref<1024x49152xf32, #tpu.memory_space<hbm>> -> memref<1x49152xf32, #tpu.memory_space<hbm>>
        tpu.enqueue_dma source(%arg6 : memref<1x49152xf32, #tpu.memory_space<vmem>>) target(%dma_start3A_181 : memref<1x49152xf32, #tpu.memory_space<hbm>>) target_semaphore(%run_scoped3A : memref<!tpu.dma_semaphore, #tpu.memory_space<semaphore_mem>>)
        %dma_wait3A = arith.constant 0 : i32
        %dma_wait3A_182 = tpu.memref_slice %arg4[%squeeze3A_56, %dma_wait3A] : memref<1024x49152xf32, #tpu.memory_space<hbm>> -> memref<1x49152xf32, #tpu.memory_space<hbm>>
        %dma_wait3A_183 = arith.constant 0 : i32
        %dma_wait3A_184 = tpu.memref_slice %arg4[%squeeze3A_56, %dma_wait3A_183] : memref<1024x49152xf32, #tpu.memory_space<hbm>> -> memref<1x49152xf32, #tpu.memory_space<hbm>>
        tpu.wait_dma2 semaphore(%run_scoped3A : memref<!tpu.dma_semaphore, #tpu.memory_space<semaphore_mem>>) src(%arg6 : memref<1x49152xf32, #tpu.memory_space<vmem>>) dst(%dma_wait3A_184 : memref<1x49152xf32, #tpu.memory_space<hbm>>)
        tpu.yield
      }) : () -> ()
      %slice3A_57 = vector.extract_strided_slice %get3A_16 {offsets = [4], sizes = [1], strides = [1]} : vector<16xi32> to vector<1xi32>
      %squeeze3A_58 = vector.extract %slice3A_57[0] : i32 from vector<1xi32>
      %slice3A_59 = vector.extract_strided_slice %get3A_16 {offsets = [3], sizes = [1], strides = [1]} : vector<16xi32> to vector<1xi32>
      %squeeze3A_60 = vector.extract %slice3A_59[0] : i32 from vector<1xi32>
      %ne3A_61 = arith.cmpi ne, %squeeze3A_58, %squeeze3A_60 : i32
      %convert_element_type3A_62 = arith.extui %ne3A_61 : i1 to i32
      %cond3A_63 = arith.constant 0 : i32
      %cond3A_64 = arith.cmpi ne, %convert_element_type3A_62, %cond3A_63 : i32
      scf.if %cond3A_64 {
        "tpu.region"() ({
          %run_scoped3A = tpu.sem_alloc : memref<!tpu.dma_semaphore, #tpu.memory_space<semaphore_mem>>
          %dma_start3A = arith.constant 0 : i32
          %dma_start3A_179 = tpu.memref_slice %arg3[%squeeze3A_58, %dma_start3A] : memref<64x49152xf32, #tpu.memory_space<hbm>> -> memref<1x49152xf32, #tpu.memory_space<hbm>>
          %dma_start3A_180 = arith.constant 0 : i32
          %dma_start3A_181 = tpu.memref_slice %arg3[%squeeze3A_58, %dma_start3A_180] : memref<64x49152xf32, #tpu.memory_space<hbm>> -> memref<1x49152xf32, #tpu.memory_space<hbm>>
          tpu.enqueue_dma source(%dma_start3A_181 : memref<1x49152xf32, #tpu.memory_space<hbm>>) target(%arg6 : memref<1x49152xf32, #tpu.memory_space<vmem>>) target_semaphore(%run_scoped3A : memref<!tpu.dma_semaphore, #tpu.memory_space<semaphore_mem>>)
          %dma_wait3A = arith.constant 0 : i32
          %dma_wait3A_182 = tpu.memref_slice %arg3[%squeeze3A_58, %dma_wait3A] : memref<64x49152xf32, #tpu.memory_space<hbm>> -> memref<1x49152xf32, #tpu.memory_space<hbm>>
          %dma_wait3A_183 = arith.constant 0 : i32
          %dma_wait3A_184 = tpu.memref_slice %arg3[%squeeze3A_58, %dma_wait3A_183] : memref<64x49152xf32, #tpu.memory_space<hbm>> -> memref<1x49152xf32, #tpu.memory_space<hbm>>
          tpu.wait_dma2 semaphore(%run_scoped3A : memref<!tpu.dma_semaphore, #tpu.memory_space<semaphore_mem>>) src(%dma_wait3A_184 : memref<1x49152xf32, #tpu.memory_space<hbm>>) dst(%arg6 : memref<1x49152xf32, #tpu.memory_space<vmem>>)
          tpu.yield
        }) : () -> ()
      } else {
      }
      %slice3A_65 = vector.extract_strided_slice %get3A_23 {offsets = [4], sizes = [1], strides = [1]} : vector<16xi32> to vector<1xi32>
      %squeeze3A_66 = vector.extract %slice3A_65[0] : i32 from vector<1xi32>
      "tpu.region"() ({
        %run_scoped3A = tpu.sem_alloc : memref<!tpu.dma_semaphore, #tpu.memory_space<semaphore_mem>>
        %dma_start3A = arith.constant 0 : i32
        %dma_start3A_179 = tpu.memref_slice %arg4[%squeeze3A_66, %dma_start3A] : memref<1024x49152xf32, #tpu.memory_space<hbm>> -> memref<1x49152xf32, #tpu.memory_space<hbm>>
        %dma_start3A_180 = arith.constant 0 : i32
        %dma_start3A_181 = tpu.memref_slice %arg4[%squeeze3A_66, %dma_start3A_180] : memref<1024x49152xf32, #tpu.memory_space<hbm>> -> memref<1x49152xf32, #tpu.memory_space<hbm>>
        tpu.enqueue_dma source(%arg6 : memref<1x49152xf32, #tpu.memory_space<vmem>>) target(%dma_start3A_181 : memref<1x49152xf32, #tpu.memory_space<hbm>>) target_semaphore(%run_scoped3A : memref<!tpu.dma_semaphore, #tpu.memory_space<semaphore_mem>>)
        %dma_wait3A = arith.constant 0 : i32
        %dma_wait3A_182 = tpu.memref_slice %arg4[%squeeze3A_66, %dma_wait3A] : memref<1024x49152xf32, #tpu.memory_space<hbm>> -> memref<1x49152xf32, #tpu.memory_space<hbm>>
        %dma_wait3A_183 = arith.constant 0 : i32
        %dma_wait3A_184 = tpu.memref_slice %arg4[%squeeze3A_66, %dma_wait3A_183] : memref<1024x49152xf32, #tpu.memory_space<hbm>> -> memref<1x49152xf32, #tpu.memory_space<hbm>>
        tpu.wait_dma2 semaphore(%run_scoped3A : memref<!tpu.dma_semaphore, #tpu.memory_space<semaphore_mem>>) src(%arg6 : memref<1x49152xf32, #tpu.memory_space<vmem>>) dst(%dma_wait3A_184 : memref<1x49152xf32, #tpu.memory_space<hbm>>)
        tpu.yield
      }) : () -> ()
      %slice3A_67 = vector.extract_strided_slice %get3A_16 {offsets = [5], sizes = [1], strides = [1]} : vector<16xi32> to vector<1xi32>
      %squeeze3A_68 = vector.extract %slice3A_67[0] : i32 from vector<1xi32>
      %slice3A_69 = vector.extract_strided_slice %get3A_16 {offsets = [4], sizes = [1], strides = [1]} : vector<16xi32> to vector<1xi32>
      %squeeze3A_70 = vector.extract %slice3A_69[0] : i32 from vector<1xi32>
      %ne3A_71 = arith.cmpi ne, %squeeze3A_68, %squeeze3A_70 : i32
      %convert_element_type3A_72 = arith.extui %ne3A_71 : i1 to i32
      %cond3A_73 = arith.constant 0 : i32
      %cond3A_74 = arith.cmpi ne, %convert_element_type3A_72, %cond3A_73 : i32
      scf.if %cond3A_74 {
        "tpu.region"() ({
          %run_scoped3A = tpu.sem_alloc : memref<!tpu.dma_semaphore, #tpu.memory_space<semaphore_mem>>
          %dma_start3A = arith.constant 0 : i32
          %dma_start3A_179 = tpu.memref_slice %arg3[%squeeze3A_68, %dma_start3A] : memref<64x49152xf32, #tpu.memory_space<hbm>> -> memref<1x49152xf32, #tpu.memory_space<hbm>>
          %dma_start3A_180 = arith.constant 0 : i32
          %dma_start3A_181 = tpu.memref_slice %arg3[%squeeze3A_68, %dma_start3A_180] : memref<64x49152xf32, #tpu.memory_space<hbm>> -> memref<1x49152xf32, #tpu.memory_space<hbm>>
          tpu.enqueue_dma source(%dma_start3A_181 : memref<1x49152xf32, #tpu.memory_space<hbm>>) target(%arg6 : memref<1x49152xf32, #tpu.memory_space<vmem>>) target_semaphore(%run_scoped3A : memref<!tpu.dma_semaphore, #tpu.memory_space<semaphore_mem>>)
          %dma_wait3A = arith.constant 0 : i32
          %dma_wait3A_182 = tpu.memref_slice %arg3[%squeeze3A_68, %dma_wait3A] : memref<64x49152xf32, #tpu.memory_space<hbm>> -> memref<1x49152xf32, #tpu.memory_space<hbm>>
          %dma_wait3A_183 = arith.constant 0 : i32
          %dma_wait3A_184 = tpu.memref_slice %arg3[%squeeze3A_68, %dma_wait3A_183] : memref<64x49152xf32, #tpu.memory_space<hbm>> -> memref<1x49152xf32, #tpu.memory_space<hbm>>
          tpu.wait_dma2 semaphore(%run_scoped3A : memref<!tpu.dma_semaphore, #tpu.memory_space<semaphore_mem>>) src(%dma_wait3A_184 : memref<1x49152xf32, #tpu.memory_space<hbm>>) dst(%arg6 : memref<1x49152xf32, #tpu.memory_space<vmem>>)
          tpu.yield
        }) : () -> ()
      } else {
      }
      %slice3A_75 = vector.extract_strided_slice %get3A_23 {offsets = [5], sizes = [1], strides = [1]} : vector<16xi32> to vector<1xi32>
      %squeeze3A_76 = vector.extract %slice3A_75[0] : i32 from vector<1xi32>
      "tpu.region"() ({
        %run_scoped3A = tpu.sem_alloc : memref<!tpu.dma_semaphore, #tpu.memory_space<semaphore_mem>>
        %dma_start3A = arith.constant 0 : i32
        %dma_start3A_179 = tpu.memref_slice %arg4[%squeeze3A_76, %dma_start3A] : memref<1024x49152xf32, #tpu.memory_space<hbm>> -> memref<1x49152xf32, #tpu.memory_space<hbm>>
        %dma_start3A_180 = arith.constant 0 : i32
        %dma_start3A_181 = tpu.memref_slice %arg4[%squeeze3A_76, %dma_start3A_180] : memref<1024x49152xf32, #tpu.memory_space<hbm>> -> memref<1x49152xf32, #tpu.memory_space<hbm>>
        tpu.enqueue_dma source(%arg6 : memref<1x49152xf32, #tpu.memory_space<vmem>>) target(%dma_start3A_181 : memref<1x49152xf32, #tpu.memory_space<hbm>>) target_semaphore(%run_scoped3A : memref<!tpu.dma_semaphore, #tpu.memory_space<semaphore_mem>>)
        %dma_wait3A = arith.constant 0 : i32
        %dma_wait3A_182 = tpu.memref_slice %arg4[%squeeze3A_76, %dma_wait3A] : memref<1024x49152xf32, #tpu.memory_space<hbm>> -> memref<1x49152xf32, #tpu.memory_space<hbm>>
        %dma_wait3A_183 = arith.constant 0 : i32
        %dma_wait3A_184 = tpu.memref_slice %arg4[%squeeze3A_76, %dma_wait3A_183] : memref<1024x49152xf32, #tpu.memory_space<hbm>> -> memref<1x49152xf32, #tpu.memory_space<hbm>>
        tpu.wait_dma2 semaphore(%run_scoped3A : memref<!tpu.dma_semaphore, #tpu.memory_space<semaphore_mem>>) src(%arg6 : memref<1x49152xf32, #tpu.memory_space<vmem>>) dst(%dma_wait3A_184 : memref<1x49152xf32, #tpu.memory_space<hbm>>)
        tpu.yield
      }) : () -> ()
      %slice3A_77 = vector.extract_strided_slice %get3A_16 {offsets = [6], sizes = [1], strides = [1]} : vector<16xi32> to vector<1xi32>
      %squeeze3A_78 = vector.extract %slice3A_77[0] : i32 from vector<1xi32>
      %slice3A_79 = vector.extract_strided_slice %get3A_16 {offsets = [5], sizes = [1], strides = [1]} : vector<16xi32> to vector<1xi32>
      %squeeze3A_80 = vector.extract %slice3A_79[0] : i32 from vector<1xi32>
      %ne3A_81 = arith.cmpi ne, %squeeze3A_78, %squeeze3A_80 : i32
      %convert_element_type3A_82 = arith.extui %ne3A_81 : i1 to i32
      %cond3A_83 = arith.constant 0 : i32
      %cond3A_84 = arith.cmpi ne, %convert_element_type3A_82, %cond3A_83 : i32
      scf.if %cond3A_84 {
        "tpu.region"() ({
          %run_scoped3A = tpu.sem_alloc : memref<!tpu.dma_semaphore, #tpu.memory_space<semaphore_mem>>
          %dma_start3A = arith.constant 0 : i32
          %dma_start3A_179 = tpu.memref_slice %arg3[%squeeze3A_78, %dma_start3A] : memref<64x49152xf32, #tpu.memory_space<hbm>> -> memref<1x49152xf32, #tpu.memory_space<hbm>>
          %dma_start3A_180 = arith.constant 0 : i32
          %dma_start3A_181 = tpu.memref_slice %arg3[%squeeze3A_78, %dma_start3A_180] : memref<64x49152xf32, #tpu.memory_space<hbm>> -> memref<1x49152xf32, #tpu.memory_space<hbm>>
          tpu.enqueue_dma source(%dma_start3A_181 : memref<1x49152xf32, #tpu.memory_space<hbm>>) target(%arg6 : memref<1x49152xf32, #tpu.memory_space<vmem>>) target_semaphore(%run_scoped3A : memref<!tpu.dma_semaphore, #tpu.memory_space<semaphore_mem>>)
          %dma_wait3A = arith.constant 0 : i32
          %dma_wait3A_182 = tpu.memref_slice %arg3[%squeeze3A_78, %dma_wait3A] : memref<64x49152xf32, #tpu.memory_space<hbm>> -> memref<1x49152xf32, #tpu.memory_space<hbm>>
          %dma_wait3A_183 = arith.constant 0 : i32
          %dma_wait3A_184 = tpu.memref_slice %arg3[%squeeze3A_78, %dma_wait3A_183] : memref<64x49152xf32, #tpu.memory_space<hbm>> -> memref<1x49152xf32, #tpu.memory_space<hbm>>
          tpu.wait_dma2 semaphore(%run_scoped3A : memref<!tpu.dma_semaphore, #tpu.memory_space<semaphore_mem>>) src(%dma_wait3A_184 : memref<1x49152xf32, #tpu.memory_space<hbm>>) dst(%arg6 : memref<1x49152xf32, #tpu.memory_space<vmem>>)
          tpu.yield
        }) : () -> ()
      } else {
      }
      %slice3A_85 = vector.extract_strided_slice %get3A_23 {offsets = [6], sizes = [1], strides = [1]} : vector<16xi32> to vector<1xi32>
      %squeeze3A_86 = vector.extract %slice3A_85[0] : i32 from vector<1xi32>
      "tpu.region"() ({
        %run_scoped3A = tpu.sem_alloc : memref<!tpu.dma_semaphore, #tpu.memory_space<semaphore_mem>>
        %dma_start3A = arith.constant 0 : i32
        %dma_start3A_179 = tpu.memref_slice %arg4[%squeeze3A_86, %dma_start3A] : memref<1024x49152xf32, #tpu.memory_space<hbm>> -> memref<1x49152xf32, #tpu.memory_space<hbm>>
        %dma_start3A_180 = arith.constant 0 : i32
        %dma_start3A_181 = tpu.memref_slice %arg4[%squeeze3A_86, %dma_start3A_180] : memref<1024x49152xf32, #tpu.memory_space<hbm>> -> memref<1x49152xf32, #tpu.memory_space<hbm>>
        tpu.enqueue_dma source(%arg6 : memref<1x49152xf32, #tpu.memory_space<vmem>>) target(%dma_start3A_181 : memref<1x49152xf32, #tpu.memory_space<hbm>>) target_semaphore(%run_scoped3A : memref<!tpu.dma_semaphore, #tpu.memory_space<semaphore_mem>>)
        %dma_wait3A = arith.constant 0 : i32
        %dma_wait3A_182 = tpu.memref_slice %arg4[%squeeze3A_86, %dma_wait3A] : memref<1024x49152xf32, #tpu.memory_space<hbm>> -> memref<1x49152xf32, #tpu.memory_space<hbm>>
        %dma_wait3A_183 = arith.constant 0 : i32
        %dma_wait3A_184 = tpu.memref_slice %arg4[%squeeze3A_86, %dma_wait3A_183] : memref<1024x49152xf32, #tpu.memory_space<hbm>> -> memref<1x49152xf32, #tpu.memory_space<hbm>>
        tpu.wait_dma2 semaphore(%run_scoped3A : memref<!tpu.dma_semaphore, #tpu.memory_space<semaphore_mem>>) src(%arg6 : memref<1x49152xf32, #tpu.memory_space<vmem>>) dst(%dma_wait3A_184 : memref<1x49152xf32, #tpu.memory_space<hbm>>)
        tpu.yield
      }) : () -> ()
      %slice3A_87 = vector.extract_strided_slice %get3A_16 {offsets = [7], sizes = [1], strides = [1]} : vector<16xi32> to vector<1xi32>
      %squeeze3A_88 = vector.extract %slice3A_87[0] : i32 from vector<1xi32>
      %slice3A_89 = vector.extract_strided_slice %get3A_16 {offsets = [6], sizes = [1], strides = [1]} : vector<16xi32> to vector<1xi32>
      %squeeze3A_90 = vector.extract %slice3A_89[0] : i32 from vector<1xi32>
      %ne3A_91 = arith.cmpi ne, %squeeze3A_88, %squeeze3A_90 : i32
      %convert_element_type3A_92 = arith.extui %ne3A_91 : i1 to i32
      %cond3A_93 = arith.constant 0 : i32
      %cond3A_94 = arith.cmpi ne, %convert_element_type3A_92, %cond3A_93 : i32
      scf.if %cond3A_94 {
        "tpu.region"() ({
          %run_scoped3A = tpu.sem_alloc : memref<!tpu.dma_semaphore, #tpu.memory_space<semaphore_mem>>
          %dma_start3A = arith.constant 0 : i32
          %dma_start3A_179 = tpu.memref_slice %arg3[%squeeze3A_88, %dma_start3A] : memref<64x49152xf32, #tpu.memory_space<hbm>> -> memref<1x49152xf32, #tpu.memory_space<hbm>>
          %dma_start3A_180 = arith.constant 0 : i32
          %dma_start3A_181 = tpu.memref_slice %arg3[%squeeze3A_88, %dma_start3A_180] : memref<64x49152xf32, #tpu.memory_space<hbm>> -> memref<1x49152xf32, #tpu.memory_space<hbm>>
          tpu.enqueue_dma source(%dma_start3A_181 : memref<1x49152xf32, #tpu.memory_space<hbm>>) target(%arg6 : memref<1x49152xf32, #tpu.memory_space<vmem>>) target_semaphore(%run_scoped3A : memref<!tpu.dma_semaphore, #tpu.memory_space<semaphore_mem>>)
          %dma_wait3A = arith.constant 0 : i32
          %dma_wait3A_182 = tpu.memref_slice %arg3[%squeeze3A_88, %dma_wait3A] : memref<64x49152xf32, #tpu.memory_space<hbm>> -> memref<1x49152xf32, #tpu.memory_space<hbm>>
          %dma_wait3A_183 = arith.constant 0 : i32
          %dma_wait3A_184 = tpu.memref_slice %arg3[%squeeze3A_88, %dma_wait3A_183] : memref<64x49152xf32, #tpu.memory_space<hbm>> -> memref<1x49152xf32, #tpu.memory_space<hbm>>
          tpu.wait_dma2 semaphore(%run_scoped3A : memref<!tpu.dma_semaphore, #tpu.memory_space<semaphore_mem>>) src(%dma_wait3A_184 : memref<1x49152xf32, #tpu.memory_space<hbm>>) dst(%arg6 : memref<1x49152xf32, #tpu.memory_space<vmem>>)
          tpu.yield
        }) : () -> ()
      } else {
      }
      %slice3A_95 = vector.extract_strided_slice %get3A_23 {offsets = [7], sizes = [1], strides = [1]} : vector<16xi32> to vector<1xi32>
      %squeeze3A_96 = vector.extract %slice3A_95[0] : i32 from vector<1xi32>
      "tpu.region"() ({
        %run_scoped3A = tpu.sem_alloc : memref<!tpu.dma_semaphore, #tpu.memory_space<semaphore_mem>>
        %dma_start3A = arith.constant 0 : i32
        %dma_start3A_179 = tpu.memref_slice %arg4[%squeeze3A_96, %dma_start3A] : memref<1024x49152xf32, #tpu.memory_space<hbm>> -> memref<1x49152xf32, #tpu.memory_space<hbm>>
        %dma_start3A_180 = arith.constant 0 : i32
        %dma_start3A_181 = tpu.memref_slice %arg4[%squeeze3A_96, %dma_start3A_180] : memref<1024x49152xf32, #tpu.memory_space<hbm>> -> memref<1x49152xf32, #tpu.memory_space<hbm>>
        tpu.enqueue_dma source(%arg6 : memref<1x49152xf32, #tpu.memory_space<vmem>>) target(%dma_start3A_181 : memref<1x49152xf32, #tpu.memory_space<hbm>>) target_semaphore(%run_scoped3A : memref<!tpu.dma_semaphore, #tpu.memory_space<semaphore_mem>>)
        %dma_wait3A = arith.constant 0 : i32
        %dma_wait3A_182 = tpu.memref_slice %arg4[%squeeze3A_96, %dma_wait3A] : memref<1024x49152xf32, #tpu.memory_space<hbm>> -> memref<1x49152xf32, #tpu.memory_space<hbm>>
        %dma_wait3A_183 = arith.constant 0 : i32
        %dma_wait3A_184 = tpu.memref_slice %arg4[%squeeze3A_96, %dma_wait3A_183] : memref<1024x49152xf32, #tpu.memory_space<hbm>> -> memref<1x49152xf32, #tpu.memory_space<hbm>>
        tpu.wait_dma2 semaphore(%run_scoped3A : memref<!tpu.dma_semaphore, #tpu.memory_space<semaphore_mem>>) src(%arg6 : memref<1x49152xf32, #tpu.memory_space<vmem>>) dst(%dma_wait3A_184 : memref<1x49152xf32, #tpu.memory_space<hbm>>)
        tpu.yield
      }) : () -> ()
      %slice3A_97 = vector.extract_strided_slice %get3A_16 {offsets = [8], sizes = [1], strides = [1]} : vector<16xi32> to vector<1xi32>
      %squeeze3A_98 = vector.extract %slice3A_97[0] : i32 from vector<1xi32>
      %slice3A_99 = vector.extract_strided_slice %get3A_16 {offsets = [7], sizes = [1], strides = [1]} : vector<16xi32> to vector<1xi32>
      %squeeze3A_100 = vector.extract %slice3A_99[0] : i32 from vector<1xi32>
      %ne3A_101 = arith.cmpi ne, %squeeze3A_98, %squeeze3A_100 : i32
      %convert_element_type3A_102 = arith.extui %ne3A_101 : i1 to i32
      %cond3A_103 = arith.constant 0 : i32
      %cond3A_104 = arith.cmpi ne, %convert_element_type3A_102, %cond3A_103 : i32
      scf.if %cond3A_104 {
        "tpu.region"() ({
          %run_scoped3A = tpu.sem_alloc : memref<!tpu.dma_semaphore, #tpu.memory_space<semaphore_mem>>
          %dma_start3A = arith.constant 0 : i32
          %dma_start3A_179 = tpu.memref_slice %arg3[%squeeze3A_98, %dma_start3A] : memref<64x49152xf32, #tpu.memory_space<hbm>> -> memref<1x49152xf32, #tpu.memory_space<hbm>>
          %dma_start3A_180 = arith.constant 0 : i32
          %dma_start3A_181 = tpu.memref_slice %arg3[%squeeze3A_98, %dma_start3A_180] : memref<64x49152xf32, #tpu.memory_space<hbm>> -> memref<1x49152xf32, #tpu.memory_space<hbm>>
          tpu.enqueue_dma source(%dma_start3A_181 : memref<1x49152xf32, #tpu.memory_space<hbm>>) target(%arg6 : memref<1x49152xf32, #tpu.memory_space<vmem>>) target_semaphore(%run_scoped3A : memref<!tpu.dma_semaphore, #tpu.memory_space<semaphore_mem>>)
          %dma_wait3A = arith.constant 0 : i32
          %dma_wait3A_182 = tpu.memref_slice %arg3[%squeeze3A_98, %dma_wait3A] : memref<64x49152xf32, #tpu.memory_space<hbm>> -> memref<1x49152xf32, #tpu.memory_space<hbm>>
          %dma_wait3A_183 = arith.constant 0 : i32
          %dma_wait3A_184 = tpu.memref_slice %arg3[%squeeze3A_98, %dma_wait3A_183] : memref<64x49152xf32, #tpu.memory_space<hbm>> -> memref<1x49152xf32, #tpu.memory_space<hbm>>
          tpu.wait_dma2 semaphore(%run_scoped3A : memref<!tpu.dma_semaphore, #tpu.memory_space<semaphore_mem>>) src(%dma_wait3A_184 : memref<1x49152xf32, #tpu.memory_space<hbm>>) dst(%arg6 : memref<1x49152xf32, #tpu.memory_space<vmem>>)
          tpu.yield
        }) : () -> ()
      } else {
      }
      %slice3A_105 = vector.extract_strided_slice %get3A_23 {offsets = [8], sizes = [1], strides = [1]} : vector<16xi32> to vector<1xi32>
      %squeeze3A_106 = vector.extract %slice3A_105[0] : i32 from vector<1xi32>
      "tpu.region"() ({
        %run_scoped3A = tpu.sem_alloc : memref<!tpu.dma_semaphore, #tpu.memory_space<semaphore_mem>>
        %dma_start3A = arith.constant 0 : i32
        %dma_start3A_179 = tpu.memref_slice %arg4[%squeeze3A_106, %dma_start3A] : memref<1024x49152xf32, #tpu.memory_space<hbm>> -> memref<1x49152xf32, #tpu.memory_space<hbm>>
        %dma_start3A_180 = arith.constant 0 : i32
        %dma_start3A_181 = tpu.memref_slice %arg4[%squeeze3A_106, %dma_start3A_180] : memref<1024x49152xf32, #tpu.memory_space<hbm>> -> memref<1x49152xf32, #tpu.memory_space<hbm>>
        tpu.enqueue_dma source(%arg6 : memref<1x49152xf32, #tpu.memory_space<vmem>>) target(%dma_start3A_181 : memref<1x49152xf32, #tpu.memory_space<hbm>>) target_semaphore(%run_scoped3A : memref<!tpu.dma_semaphore, #tpu.memory_space<semaphore_mem>>)
        %dma_wait3A = arith.constant 0 : i32
        %dma_wait3A_182 = tpu.memref_slice %arg4[%squeeze3A_106, %dma_wait3A] : memref<1024x49152xf32, #tpu.memory_space<hbm>> -> memref<1x49152xf32, #tpu.memory_space<hbm>>
        %dma_wait3A_183 = arith.constant 0 : i32
        %dma_wait3A_184 = tpu.memref_slice %arg4[%squeeze3A_106, %dma_wait3A_183] : memref<1024x49152xf32, #tpu.memory_space<hbm>> -> memref<1x49152xf32, #tpu.memory_space<hbm>>
        tpu.wait_dma2 semaphore(%run_scoped3A : memref<!tpu.dma_semaphore, #tpu.memory_space<semaphore_mem>>) src(%arg6 : memref<1x49152xf32, #tpu.memory_space<vmem>>) dst(%dma_wait3A_184 : memref<1x49152xf32, #tpu.memory_space<hbm>>)
        tpu.yield
      }) : () -> ()
      %slice3A_107 = vector.extract_strided_slice %get3A_16 {offsets = [9], sizes = [1], strides = [1]} : vector<16xi32> to vector<1xi32>
      %squeeze3A_108 = vector.extract %slice3A_107[0] : i32 from vector<1xi32>
      %slice3A_109 = vector.extract_strided_slice %get3A_16 {offsets = [8], sizes = [1], strides = [1]} : vector<16xi32> to vector<1xi32>
      %squeeze3A_110 = vector.extract %slice3A_109[0] : i32 from vector<1xi32>
      %ne3A_111 = arith.cmpi ne, %squeeze3A_108, %squeeze3A_110 : i32
      %convert_element_type3A_112 = arith.extui %ne3A_111 : i1 to i32
      %cond3A_113 = arith.constant 0 : i32
      %cond3A_114 = arith.cmpi ne, %convert_element_type3A_112, %cond3A_113 : i32
      scf.if %cond3A_114 {
        "tpu.region"() ({
          %run_scoped3A = tpu.sem_alloc : memref<!tpu.dma_semaphore, #tpu.memory_space<semaphore_mem>>
          %dma_start3A = arith.constant 0 : i32
          %dma_start3A_179 = tpu.memref_slice %arg3[%squeeze3A_108, %dma_start3A] : memref<64x49152xf32, #tpu.memory_space<hbm>> -> memref<1x49152xf32, #tpu.memory_space<hbm>>
          %dma_start3A_180 = arith.constant 0 : i32
          %dma_start3A_181 = tpu.memref_slice %arg3[%squeeze3A_108, %dma_start3A_180] : memref<64x49152xf32, #tpu.memory_space<hbm>> -> memref<1x49152xf32, #tpu.memory_space<hbm>>
          tpu.enqueue_dma source(%dma_start3A_181 : memref<1x49152xf32, #tpu.memory_space<hbm>>) target(%arg6 : memref<1x49152xf32, #tpu.memory_space<vmem>>) target_semaphore(%run_scoped3A : memref<!tpu.dma_semaphore, #tpu.memory_space<semaphore_mem>>)
          %dma_wait3A = arith.constant 0 : i32
          %dma_wait3A_182 = tpu.memref_slice %arg3[%squeeze3A_108, %dma_wait3A] : memref<64x49152xf32, #tpu.memory_space<hbm>> -> memref<1x49152xf32, #tpu.memory_space<hbm>>
          %dma_wait3A_183 = arith.constant 0 : i32
          %dma_wait3A_184 = tpu.memref_slice %arg3[%squeeze3A_108, %dma_wait3A_183] : memref<64x49152xf32, #tpu.memory_space<hbm>> -> memref<1x49152xf32, #tpu.memory_space<hbm>>
          tpu.wait_dma2 semaphore(%run_scoped3A : memref<!tpu.dma_semaphore, #tpu.memory_space<semaphore_mem>>) src(%dma_wait3A_184 : memref<1x49152xf32, #tpu.memory_space<hbm>>) dst(%arg6 : memref<1x49152xf32, #tpu.memory_space<vmem>>)
          tpu.yield
        }) : () -> ()
      } else {
      }
      %slice3A_115 = vector.extract_strided_slice %get3A_23 {offsets = [9], sizes = [1], strides = [1]} : vector<16xi32> to vector<1xi32>
      %squeeze3A_116 = vector.extract %slice3A_115[0] : i32 from vector<1xi32>
      "tpu.region"() ({
        %run_scoped3A = tpu.sem_alloc : memref<!tpu.dma_semaphore, #tpu.memory_space<semaphore_mem>>
        %dma_start3A = arith.constant 0 : i32
        %dma_start3A_179 = tpu.memref_slice %arg4[%squeeze3A_116, %dma_start3A] : memref<1024x49152xf32, #tpu.memory_space<hbm>> -> memref<1x49152xf32, #tpu.memory_space<hbm>>
        %dma_start3A_180 = arith.constant 0 : i32
        %dma_start3A_181 = tpu.memref_slice %arg4[%squeeze3A_116, %dma_start3A_180] : memref<1024x49152xf32, #tpu.memory_space<hbm>> -> memref<1x49152xf32, #tpu.memory_space<hbm>>
        tpu.enqueue_dma source(%arg6 : memref<1x49152xf32, #tpu.memory_space<vmem>>) target(%dma_start3A_181 : memref<1x49152xf32, #tpu.memory_space<hbm>>) target_semaphore(%run_scoped3A : memref<!tpu.dma_semaphore, #tpu.memory_space<semaphore_mem>>)
        %dma_wait3A = arith.constant 0 : i32
        %dma_wait3A_182 = tpu.memref_slice %arg4[%squeeze3A_116, %dma_wait3A] : memref<1024x49152xf32, #tpu.memory_space<hbm>> -> memref<1x49152xf32, #tpu.memory_space<hbm>>
        %dma_wait3A_183 = arith.constant 0 : i32
        %dma_wait3A_184 = tpu.memref_slice %arg4[%squeeze3A_116, %dma_wait3A_183] : memref<1024x49152xf32, #tpu.memory_space<hbm>> -> memref<1x49152xf32, #tpu.memory_space<hbm>>
        tpu.wait_dma2 semaphore(%run_scoped3A : memref<!tpu.dma_semaphore, #tpu.memory_space<semaphore_mem>>) src(%arg6 : memref<1x49152xf32, #tpu.memory_space<vmem>>) dst(%dma_wait3A_184 : memref<1x49152xf32, #tpu.memory_space<hbm>>)
        tpu.yield
      }) : () -> ()
      %slice3A_117 = vector.extract_strided_slice %get3A_16 {offsets = [10], sizes = [1], strides = [1]} : vector<16xi32> to vector<1xi32>
      %squeeze3A_118 = vector.extract %slice3A_117[0] : i32 from vector<1xi32>
      %slice3A_119 = vector.extract_strided_slice %get3A_16 {offsets = [9], sizes = [1], strides = [1]} : vector<16xi32> to vector<1xi32>
      %squeeze3A_120 = vector.extract %slice3A_119[0] : i32 from vector<1xi32>
      %ne3A_121 = arith.cmpi ne, %squeeze3A_118, %squeeze3A_120 : i32
      %convert_element_type3A_122 = arith.extui %ne3A_121 : i1 to i32
      %cond3A_123 = arith.constant 0 : i32
      %cond3A_124 = arith.cmpi ne, %convert_element_type3A_122, %cond3A_123 : i32
      scf.if %cond3A_124 {
        "tpu.region"() ({
          %run_scoped3A = tpu.sem_alloc : memref<!tpu.dma_semaphore, #tpu.memory_space<semaphore_mem>>
          %dma_start3A = arith.constant 0 : i32
          %dma_start3A_179 = tpu.memref_slice %arg3[%squeeze3A_118, %dma_start3A] : memref<64x49152xf32, #tpu.memory_space<hbm>> -> memref<1x49152xf32, #tpu.memory_space<hbm>>
          %dma_start3A_180 = arith.constant 0 : i32
          %dma_start3A_181 = tpu.memref_slice %arg3[%squeeze3A_118, %dma_start3A_180] : memref<64x49152xf32, #tpu.memory_space<hbm>> -> memref<1x49152xf32, #tpu.memory_space<hbm>>
          tpu.enqueue_dma source(%dma_start3A_181 : memref<1x49152xf32, #tpu.memory_space<hbm>>) target(%arg6 : memref<1x49152xf32, #tpu.memory_space<vmem>>) target_semaphore(%run_scoped3A : memref<!tpu.dma_semaphore, #tpu.memory_space<semaphore_mem>>)
          %dma_wait3A = arith.constant 0 : i32
          %dma_wait3A_182 = tpu.memref_slice %arg3[%squeeze3A_118, %dma_wait3A] : memref<64x49152xf32, #tpu.memory_space<hbm>> -> memref<1x49152xf32, #tpu.memory_space<hbm>>
          %dma_wait3A_183 = arith.constant 0 : i32
          %dma_wait3A_184 = tpu.memref_slice %arg3[%squeeze3A_118, %dma_wait3A_183] : memref<64x49152xf32, #tpu.memory_space<hbm>> -> memref<1x49152xf32, #tpu.memory_space<hbm>>
          tpu.wait_dma2 semaphore(%run_scoped3A : memref<!tpu.dma_semaphore, #tpu.memory_space<semaphore_mem>>) src(%dma_wait3A_184 : memref<1x49152xf32, #tpu.memory_space<hbm>>) dst(%arg6 : memref<1x49152xf32, #tpu.memory_space<vmem>>)
          tpu.yield
        }) : () -> ()
      } else {
      }
      %slice3A_125 = vector.extract_strided_slice %get3A_23 {offsets = [10], sizes = [1], strides = [1]} : vector<16xi32> to vector<1xi32>
      %squeeze3A_126 = vector.extract %slice3A_125[0] : i32 from vector<1xi32>
      "tpu.region"() ({
        %run_scoped3A = tpu.sem_alloc : memref<!tpu.dma_semaphore, #tpu.memory_space<semaphore_mem>>
        %dma_start3A = arith.constant 0 : i32
        %dma_start3A_179 = tpu.memref_slice %arg4[%squeeze3A_126, %dma_start3A] : memref<1024x49152xf32, #tpu.memory_space<hbm>> -> memref<1x49152xf32, #tpu.memory_space<hbm>>
        %dma_start3A_180 = arith.constant 0 : i32
        %dma_start3A_181 = tpu.memref_slice %arg4[%squeeze3A_126, %dma_start3A_180] : memref<1024x49152xf32, #tpu.memory_space<hbm>> -> memref<1x49152xf32, #tpu.memory_space<hbm>>
        tpu.enqueue_dma source(%arg6 : memref<1x49152xf32, #tpu.memory_space<vmem>>) target(%dma_start3A_181 : memref<1x49152xf32, #tpu.memory_space<hbm>>) target_semaphore(%run_scoped3A : memref<!tpu.dma_semaphore, #tpu.memory_space<semaphore_mem>>)
        %dma_wait3A = arith.constant 0 : i32
        %dma_wait3A_182 = tpu.memref_slice %arg4[%squeeze3A_126, %dma_wait3A] : memref<1024x49152xf32, #tpu.memory_space<hbm>> -> memref<1x49152xf32, #tpu.memory_space<hbm>>
        %dma_wait3A_183 = arith.constant 0 : i32
        %dma_wait3A_184 = tpu.memref_slice %arg4[%squeeze3A_126, %dma_wait3A_183] : memref<1024x49152xf32, #tpu.memory_space<hbm>> -> memref<1x49152xf32, #tpu.memory_space<hbm>>
        tpu.wait_dma2 semaphore(%run_scoped3A : memref<!tpu.dma_semaphore, #tpu.memory_space<semaphore_mem>>) src(%arg6 : memref<1x49152xf32, #tpu.memory_space<vmem>>) dst(%dma_wait3A_184 : memref<1x49152xf32, #tpu.memory_space<hbm>>)
        tpu.yield
      }) : () -> ()
      %slice3A_127 = vector.extract_strided_slice %get3A_16 {offsets = [11], sizes = [1], strides = [1]} : vector<16xi32> to vector<1xi32>
      %squeeze3A_128 = vector.extract %slice3A_127[0] : i32 from vector<1xi32>
      %slice3A_129 = vector.extract_strided_slice %get3A_16 {offsets = [10], sizes = [1], strides = [1]} : vector<16xi32> to vector<1xi32>
      %squeeze3A_130 = vector.extract %slice3A_129[0] : i32 from vector<1xi32>
      %ne3A_131 = arith.cmpi ne, %squeeze3A_128, %squeeze3A_130 : i32
      %convert_element_type3A_132 = arith.extui %ne3A_131 : i1 to i32
      %cond3A_133 = arith.constant 0 : i32
      %cond3A_134 = arith.cmpi ne, %convert_element_type3A_132, %cond3A_133 : i32
      scf.if %cond3A_134 {
        "tpu.region"() ({
          %run_scoped3A = tpu.sem_alloc : memref<!tpu.dma_semaphore, #tpu.memory_space<semaphore_mem>>
          %dma_start3A = arith.constant 0 : i32
          %dma_start3A_179 = tpu.memref_slice %arg3[%squeeze3A_128, %dma_start3A] : memref<64x49152xf32, #tpu.memory_space<hbm>> -> memref<1x49152xf32, #tpu.memory_space<hbm>>
          %dma_start3A_180 = arith.constant 0 : i32
          %dma_start3A_181 = tpu.memref_slice %arg3[%squeeze3A_128, %dma_start3A_180] : memref<64x49152xf32, #tpu.memory_space<hbm>> -> memref<1x49152xf32, #tpu.memory_space<hbm>>
          tpu.enqueue_dma source(%dma_start3A_181 : memref<1x49152xf32, #tpu.memory_space<hbm>>) target(%arg6 : memref<1x49152xf32, #tpu.memory_space<vmem>>) target_semaphore(%run_scoped3A : memref<!tpu.dma_semaphore, #tpu.memory_space<semaphore_mem>>)
          %dma_wait3A = arith.constant 0 : i32
          %dma_wait3A_182 = tpu.memref_slice %arg3[%squeeze3A_128, %dma_wait3A] : memref<64x49152xf32, #tpu.memory_space<hbm>> -> memref<1x49152xf32, #tpu.memory_space<hbm>>
          %dma_wait3A_183 = arith.constant 0 : i32
          %dma_wait3A_184 = tpu.memref_slice %arg3[%squeeze3A_128, %dma_wait3A_183] : memref<64x49152xf32, #tpu.memory_space<hbm>> -> memref<1x49152xf32, #tpu.memory_space<hbm>>
          tpu.wait_dma2 semaphore(%run_scoped3A : memref<!tpu.dma_semaphore, #tpu.memory_space<semaphore_mem>>) src(%dma_wait3A_184 : memref<1x49152xf32, #tpu.memory_space<hbm>>) dst(%arg6 : memref<1x49152xf32, #tpu.memory_space<vmem>>)
          tpu.yield
        }) : () -> ()
      } else {
      }
      %slice3A_135 = vector.extract_strided_slice %get3A_23 {offsets = [11], sizes = [1], strides = [1]} : vector<16xi32> to vector<1xi32>
      %squeeze3A_136 = vector.extract %slice3A_135[0] : i32 from vector<1xi32>
      "tpu.region"() ({
        %run_scoped3A = tpu.sem_alloc : memref<!tpu.dma_semaphore, #tpu.memory_space<semaphore_mem>>
        %dma_start3A = arith.constant 0 : i32
        %dma_start3A_179 = tpu.memref_slice %arg4[%squeeze3A_136, %dma_start3A] : memref<1024x49152xf32, #tpu.memory_space<hbm>> -> memref<1x49152xf32, #tpu.memory_space<hbm>>
        %dma_start3A_180 = arith.constant 0 : i32
        %dma_start3A_181 = tpu.memref_slice %arg4[%squeeze3A_136, %dma_start3A_180] : memref<1024x49152xf32, #tpu.memory_space<hbm>> -> memref<1x49152xf32, #tpu.memory_space<hbm>>
        tpu.enqueue_dma source(%arg6 : memref<1x49152xf32, #tpu.memory_space<vmem>>) target(%dma_start3A_181 : memref<1x49152xf32, #tpu.memory_space<hbm>>) target_semaphore(%run_scoped3A : memref<!tpu.dma_semaphore, #tpu.memory_space<semaphore_mem>>)
        %dma_wait3A = arith.constant 0 : i32
        %dma_wait3A_182 = tpu.memref_slice %arg4[%squeeze3A_136, %dma_wait3A] : memref<1024x49152xf32, #tpu.memory_space<hbm>> -> memref<1x49152xf32, #tpu.memory_space<hbm>>
        %dma_wait3A_183 = arith.constant 0 : i32
        %dma_wait3A_184 = tpu.memref_slice %arg4[%squeeze3A_136, %dma_wait3A_183] : memref<1024x49152xf32, #tpu.memory_space<hbm>> -> memref<1x49152xf32, #tpu.memory_space<hbm>>
        tpu.wait_dma2 semaphore(%run_scoped3A : memref<!tpu.dma_semaphore, #tpu.memory_space<semaphore_mem>>) src(%arg6 : memref<1x49152xf32, #tpu.memory_space<vmem>>) dst(%dma_wait3A_184 : memref<1x49152xf32, #tpu.memory_space<hbm>>)
        tpu.yield
      }) : () -> ()
      %slice3A_137 = vector.extract_strided_slice %get3A_16 {offsets = [12], sizes = [1], strides = [1]} : vector<16xi32> to vector<1xi32>
      %squeeze3A_138 = vector.extract %slice3A_137[0] : i32 from vector<1xi32>
      %slice3A_139 = vector.extract_strided_slice %get3A_16 {offsets = [11], sizes = [1], strides = [1]} : vector<16xi32> to vector<1xi32>
      %squeeze3A_140 = vector.extract %slice3A_139[0] : i32 from vector<1xi32>
      %ne3A_141 = arith.cmpi ne, %squeeze3A_138, %squeeze3A_140 : i32
      %convert_element_type3A_142 = arith.extui %ne3A_141 : i1 to i32
      %cond3A_143 = arith.constant 0 : i32
      %cond3A_144 = arith.cmpi ne, %convert_element_type3A_142, %cond3A_143 : i32
      scf.if %cond3A_144 {
        "tpu.region"() ({
          %run_scoped3A = tpu.sem_alloc : memref<!tpu.dma_semaphore, #tpu.memory_space<semaphore_mem>>
          %dma_start3A = arith.constant 0 : i32
          %dma_start3A_179 = tpu.memref_slice %arg3[%squeeze3A_138, %dma_start3A] : memref<64x49152xf32, #tpu.memory_space<hbm>> -> memref<1x49152xf32, #tpu.memory_space<hbm>>
          %dma_start3A_180 = arith.constant 0 : i32
          %dma_start3A_181 = tpu.memref_slice %arg3[%squeeze3A_138, %dma_start3A_180] : memref<64x49152xf32, #tpu.memory_space<hbm>> -> memref<1x49152xf32, #tpu.memory_space<hbm>>
          tpu.enqueue_dma source(%dma_start3A_181 : memref<1x49152xf32, #tpu.memory_space<hbm>>) target(%arg6 : memref<1x49152xf32, #tpu.memory_space<vmem>>) target_semaphore(%run_scoped3A : memref<!tpu.dma_semaphore, #tpu.memory_space<semaphore_mem>>)
          %dma_wait3A = arith.constant 0 : i32
          %dma_wait3A_182 = tpu.memref_slice %arg3[%squeeze3A_138, %dma_wait3A] : memref<64x49152xf32, #tpu.memory_space<hbm>> -> memref<1x49152xf32, #tpu.memory_space<hbm>>
          %dma_wait3A_183 = arith.constant 0 : i32
          %dma_wait3A_184 = tpu.memref_slice %arg3[%squeeze3A_138, %dma_wait3A_183] : memref<64x49152xf32, #tpu.memory_space<hbm>> -> memref<1x49152xf32, #tpu.memory_space<hbm>>
          tpu.wait_dma2 semaphore(%run_scoped3A : memref<!tpu.dma_semaphore, #tpu.memory_space<semaphore_mem>>) src(%dma_wait3A_184 : memref<1x49152xf32, #tpu.memory_space<hbm>>) dst(%arg6 : memref<1x49152xf32, #tpu.memory_space<vmem>>)
          tpu.yield
        }) : () -> ()
      } else {
      }
      %slice3A_145 = vector.extract_strided_slice %get3A_23 {offsets = [12], sizes = [1], strides = [1]} : vector<16xi32> to vector<1xi32>
      %squeeze3A_146 = vector.extract %slice3A_145[0] : i32 from vector<1xi32>
      "tpu.region"() ({
        %run_scoped3A = tpu.sem_alloc : memref<!tpu.dma_semaphore, #tpu.memory_space<semaphore_mem>>
        %dma_start3A = arith.constant 0 : i32
        %dma_start3A_179 = tpu.memref_slice %arg4[%squeeze3A_146, %dma_start3A] : memref<1024x49152xf32, #tpu.memory_space<hbm>> -> memref<1x49152xf32, #tpu.memory_space<hbm>>
        %dma_start3A_180 = arith.constant 0 : i32
        %dma_start3A_181 = tpu.memref_slice %arg4[%squeeze3A_146, %dma_start3A_180] : memref<1024x49152xf32, #tpu.memory_space<hbm>> -> memref<1x49152xf32, #tpu.memory_space<hbm>>
        tpu.enqueue_dma source(%arg6 : memref<1x49152xf32, #tpu.memory_space<vmem>>) target(%dma_start3A_181 : memref<1x49152xf32, #tpu.memory_space<hbm>>) target_semaphore(%run_scoped3A : memref<!tpu.dma_semaphore, #tpu.memory_space<semaphore_mem>>)
        %dma_wait3A = arith.constant 0 : i32
        %dma_wait3A_182 = tpu.memref_slice %arg4[%squeeze3A_146, %dma_wait3A] : memref<1024x49152xf32, #tpu.memory_space<hbm>> -> memref<1x49152xf32, #tpu.memory_space<hbm>>
        %dma_wait3A_183 = arith.constant 0 : i32
        %dma_wait3A_184 = tpu.memref_slice %arg4[%squeeze3A_146, %dma_wait3A_183] : memref<1024x49152xf32, #tpu.memory_space<hbm>> -> memref<1x49152xf32, #tpu.memory_space<hbm>>
        tpu.wait_dma2 semaphore(%run_scoped3A : memref<!tpu.dma_semaphore, #tpu.memory_space<semaphore_mem>>) src(%arg6 : memref<1x49152xf32, #tpu.memory_space<vmem>>) dst(%dma_wait3A_184 : memref<1x49152xf32, #tpu.memory_space<hbm>>)
        tpu.yield
      }) : () -> ()
      %slice3A_147 = vector.extract_strided_slice %get3A_16 {offsets = [13], sizes = [1], strides = [1]} : vector<16xi32> to vector<1xi32>
      %squeeze3A_148 = vector.extract %slice3A_147[0] : i32 from vector<1xi32>
      %slice3A_149 = vector.extract_strided_slice %get3A_16 {offsets = [12], sizes = [1], strides = [1]} : vector<16xi32> to vector<1xi32>
      %squeeze3A_150 = vector.extract %slice3A_149[0] : i32 from vector<1xi32>
      %ne3A_151 = arith.cmpi ne, %squeeze3A_148, %squeeze3A_150 : i32
      %convert_element_type3A_152 = arith.extui %ne3A_151 : i1 to i32
      %cond3A_153 = arith.constant 0 : i32
      %cond3A_154 = arith.cmpi ne, %convert_element_type3A_152, %cond3A_153 : i32
      scf.if %cond3A_154 {
        "tpu.region"() ({
          %run_scoped3A = tpu.sem_alloc : memref<!tpu.dma_semaphore, #tpu.memory_space<semaphore_mem>>
          %dma_start3A = arith.constant 0 : i32
          %dma_start3A_179 = tpu.memref_slice %arg3[%squeeze3A_148, %dma_start3A] : memref<64x49152xf32, #tpu.memory_space<hbm>> -> memref<1x49152xf32, #tpu.memory_space<hbm>>
          %dma_start3A_180 = arith.constant 0 : i32
          %dma_start3A_181 = tpu.memref_slice %arg3[%squeeze3A_148, %dma_start3A_180] : memref<64x49152xf32, #tpu.memory_space<hbm>> -> memref<1x49152xf32, #tpu.memory_space<hbm>>
          tpu.enqueue_dma source(%dma_start3A_181 : memref<1x49152xf32, #tpu.memory_space<hbm>>) target(%arg6 : memref<1x49152xf32, #tpu.memory_space<vmem>>) target_semaphore(%run_scoped3A : memref<!tpu.dma_semaphore, #tpu.memory_space<semaphore_mem>>)
          %dma_wait3A = arith.constant 0 : i32
          %dma_wait3A_182 = tpu.memref_slice %arg3[%squeeze3A_148, %dma_wait3A] : memref<64x49152xf32, #tpu.memory_space<hbm>> -> memref<1x49152xf32, #tpu.memory_space<hbm>>
          %dma_wait3A_183 = arith.constant 0 : i32
          %dma_wait3A_184 = tpu.memref_slice %arg3[%squeeze3A_148, %dma_wait3A_183] : memref<64x49152xf32, #tpu.memory_space<hbm>> -> memref<1x49152xf32, #tpu.memory_space<hbm>>
          tpu.wait_dma2 semaphore(%run_scoped3A : memref<!tpu.dma_semaphore, #tpu.memory_space<semaphore_mem>>) src(%dma_wait3A_184 : memref<1x49152xf32, #tpu.memory_space<hbm>>) dst(%arg6 : memref<1x49152xf32, #tpu.memory_space<vmem>>)
          tpu.yield
        }) : () -> ()
      } else {
      }
      %slice3A_155 = vector.extract_strided_slice %get3A_23 {offsets = [13], sizes = [1], strides = [1]} : vector<16xi32> to vector<1xi32>
      %squeeze3A_156 = vector.extract %slice3A_155[0] : i32 from vector<1xi32>
      "tpu.region"() ({
        %run_scoped3A = tpu.sem_alloc : memref<!tpu.dma_semaphore, #tpu.memory_space<semaphore_mem>>
        %dma_start3A = arith.constant 0 : i32
        %dma_start3A_179 = tpu.memref_slice %arg4[%squeeze3A_156, %dma_start3A] : memref<1024x49152xf32, #tpu.memory_space<hbm>> -> memref<1x49152xf32, #tpu.memory_space<hbm>>
        %dma_start3A_180 = arith.constant 0 : i32
        %dma_start3A_181 = tpu.memref_slice %arg4[%squeeze3A_156, %dma_start3A_180] : memref<1024x49152xf32, #tpu.memory_space<hbm>> -> memref<1x49152xf32, #tpu.memory_space<hbm>>
        tpu.enqueue_dma source(%arg6 : memref<1x49152xf32, #tpu.memory_space<vmem>>) target(%dma_start3A_181 : memref<1x49152xf32, #tpu.memory_space<hbm>>) target_semaphore(%run_scoped3A : memref<!tpu.dma_semaphore, #tpu.memory_space<semaphore_mem>>)
        %dma_wait3A = arith.constant 0 : i32
        %dma_wait3A_182 = tpu.memref_slice %arg4[%squeeze3A_156, %dma_wait3A] : memref<1024x49152xf32, #tpu.memory_space<hbm>> -> memref<1x49152xf32, #tpu.memory_space<hbm>>
        %dma_wait3A_183 = arith.constant 0 : i32
        %dma_wait3A_184 = tpu.memref_slice %arg4[%squeeze3A_156, %dma_wait3A_183] : memref<1024x49152xf32, #tpu.memory_space<hbm>> -> memref<1x49152xf32, #tpu.memory_space<hbm>>
        tpu.wait_dma2 semaphore(%run_scoped3A : memref<!tpu.dma_semaphore, #tpu.memory_space<semaphore_mem>>) src(%arg6 : memref<1x49152xf32, #tpu.memory_space<vmem>>) dst(%dma_wait3A_184 : memref<1x49152xf32, #tpu.memory_space<hbm>>)
        tpu.yield
      }) : () -> ()
      %slice3A_157 = vector.extract_strided_slice %get3A_16 {offsets = [14], sizes = [1], strides = [1]} : vector<16xi32> to vector<1xi32>
      %squeeze3A_158 = vector.extract %slice3A_157[0] : i32 from vector<1xi32>
      %slice3A_159 = vector.extract_strided_slice %get3A_16 {offsets = [13], sizes = [1], strides = [1]} : vector<16xi32> to vector<1xi32>
      %squeeze3A_160 = vector.extract %slice3A_159[0] : i32 from vector<1xi32>
      %ne3A_161 = arith.cmpi ne, %squeeze3A_158, %squeeze3A_160 : i32
      %convert_element_type3A_162 = arith.extui %ne3A_161 : i1 to i32
      %cond3A_163 = arith.constant 0 : i32
      %cond3A_164 = arith.cmpi ne, %convert_element_type3A_162, %cond3A_163 : i32
      scf.if %cond3A_164 {
        "tpu.region"() ({
          %run_scoped3A = tpu.sem_alloc : memref<!tpu.dma_semaphore, #tpu.memory_space<semaphore_mem>>
          %dma_start3A = arith.constant 0 : i32
          %dma_start3A_179 = tpu.memref_slice %arg3[%squeeze3A_158, %dma_start3A] : memref<64x49152xf32, #tpu.memory_space<hbm>> -> memref<1x49152xf32, #tpu.memory_space<hbm>>
          %dma_start3A_180 = arith.constant 0 : i32
          %dma_start3A_181 = tpu.memref_slice %arg3[%squeeze3A_158, %dma_start3A_180] : memref<64x49152xf32, #tpu.memory_space<hbm>> -> memref<1x49152xf32, #tpu.memory_space<hbm>>
          tpu.enqueue_dma source(%dma_start3A_181 : memref<1x49152xf32, #tpu.memory_space<hbm>>) target(%arg6 : memref<1x49152xf32, #tpu.memory_space<vmem>>) target_semaphore(%run_scoped3A : memref<!tpu.dma_semaphore, #tpu.memory_space<semaphore_mem>>)
          %dma_wait3A = arith.constant 0 : i32
          %dma_wait3A_182 = tpu.memref_slice %arg3[%squeeze3A_158, %dma_wait3A] : memref<64x49152xf32, #tpu.memory_space<hbm>> -> memref<1x49152xf32, #tpu.memory_space<hbm>>
          %dma_wait3A_183 = arith.constant 0 : i32
          %dma_wait3A_184 = tpu.memref_slice %arg3[%squeeze3A_158, %dma_wait3A_183] : memref<64x49152xf32, #tpu.memory_space<hbm>> -> memref<1x49152xf32, #tpu.memory_space<hbm>>
          tpu.wait_dma2 semaphore(%run_scoped3A : memref<!tpu.dma_semaphore, #tpu.memory_space<semaphore_mem>>) src(%dma_wait3A_184 : memref<1x49152xf32, #tpu.memory_space<hbm>>) dst(%arg6 : memref<1x49152xf32, #tpu.memory_space<vmem>>)
          tpu.yield
        }) : () -> ()
      } else {
      }
      %slice3A_165 = vector.extract_strided_slice %get3A_23 {offsets = [14], sizes = [1], strides = [1]} : vector<16xi32> to vector<1xi32>
      %squeeze3A_166 = vector.extract %slice3A_165[0] : i32 from vector<1xi32>
      "tpu.region"() ({
        %run_scoped3A = tpu.sem_alloc : memref<!tpu.dma_semaphore, #tpu.memory_space<semaphore_mem>>
        %dma_start3A = arith.constant 0 : i32
        %dma_start3A_179 = tpu.memref_slice %arg4[%squeeze3A_166, %dma_start3A] : memref<1024x49152xf32, #tpu.memory_space<hbm>> -> memref<1x49152xf32, #tpu.memory_space<hbm>>
        %dma_start3A_180 = arith.constant 0 : i32
        %dma_start3A_181 = tpu.memref_slice %arg4[%squeeze3A_166, %dma_start3A_180] : memref<1024x49152xf32, #tpu.memory_space<hbm>> -> memref<1x49152xf32, #tpu.memory_space<hbm>>
        tpu.enqueue_dma source(%arg6 : memref<1x49152xf32, #tpu.memory_space<vmem>>) target(%dma_start3A_181 : memref<1x49152xf32, #tpu.memory_space<hbm>>) target_semaphore(%run_scoped3A : memref<!tpu.dma_semaphore, #tpu.memory_space<semaphore_mem>>)
        %dma_wait3A = arith.constant 0 : i32
        %dma_wait3A_182 = tpu.memref_slice %arg4[%squeeze3A_166, %dma_wait3A] : memref<1024x49152xf32, #tpu.memory_space<hbm>> -> memref<1x49152xf32, #tpu.memory_space<hbm>>
        %dma_wait3A_183 = arith.constant 0 : i32
        %dma_wait3A_184 = tpu.memref_slice %arg4[%squeeze3A_166, %dma_wait3A_183] : memref<1024x49152xf32, #tpu.memory_space<hbm>> -> memref<1x49152xf32, #tpu.memory_space<hbm>>
        tpu.wait_dma2 semaphore(%run_scoped3A : memref<!tpu.dma_semaphore, #tpu.memory_space<semaphore_mem>>) src(%arg6 : memref<1x49152xf32, #tpu.memory_space<vmem>>) dst(%dma_wait3A_184 : memref<1x49152xf32, #tpu.memory_space<hbm>>)
        tpu.yield
      }) : () -> ()
      %slice3A_167 = vector.extract_strided_slice %get3A_16 {offsets = [15], sizes = [1], strides = [1]} : vector<16xi32> to vector<1xi32>
      %squeeze3A_168 = vector.extract %slice3A_167[0] : i32 from vector<1xi32>
      %slice3A_169 = vector.extract_strided_slice %get3A_16 {offsets = [14], sizes = [1], strides = [1]} : vector<16xi32> to vector<1xi32>
      %squeeze3A_170 = vector.extract %slice3A_169[0] : i32 from vector<1xi32>
      %ne3A_171 = arith.cmpi ne, %squeeze3A_168, %squeeze3A_170 : i32
      %convert_element_type3A_172 = arith.extui %ne3A_171 : i1 to i32
      %cond3A_173 = arith.constant 0 : i32
      %cond3A_174 = arith.cmpi ne, %convert_element_type3A_172, %cond3A_173 : i32
      scf.if %cond3A_174 {
        "tpu.region"() ({
          %run_scoped3A = tpu.sem_alloc : memref<!tpu.dma_semaphore, #tpu.memory_space<semaphore_mem>>
          %dma_start3A = arith.constant 0 : i32
          %dma_start3A_179 = tpu.memref_slice %arg3[%squeeze3A_168, %dma_start3A] : memref<64x49152xf32, #tpu.memory_space<hbm>> -> memref<1x49152xf32, #tpu.memory_space<hbm>>
          %dma_start3A_180 = arith.constant 0 : i32
          %dma_start3A_181 = tpu.memref_slice %arg3[%squeeze3A_168, %dma_start3A_180] : memref<64x49152xf32, #tpu.memory_space<hbm>> -> memref<1x49152xf32, #tpu.memory_space<hbm>>
          tpu.enqueue_dma source(%dma_start3A_181 : memref<1x49152xf32, #tpu.memory_space<hbm>>) target(%arg6 : memref<1x49152xf32, #tpu.memory_space<vmem>>) target_semaphore(%run_scoped3A : memref<!tpu.dma_semaphore, #tpu.memory_space<semaphore_mem>>)
          %dma_wait3A = arith.constant 0 : i32
          %dma_wait3A_182 = tpu.memref_slice %arg3[%squeeze3A_168, %dma_wait3A] : memref<64x49152xf32, #tpu.memory_space<hbm>> -> memref<1x49152xf32, #tpu.memory_space<hbm>>
          %dma_wait3A_183 = arith.constant 0 : i32
          %dma_wait3A_184 = tpu.memref_slice %arg3[%squeeze3A_168, %dma_wait3A_183] : memref<64x49152xf32, #tpu.memory_space<hbm>> -> memref<1x49152xf32, #tpu.memory_space<hbm>>
          tpu.wait_dma2 semaphore(%run_scoped3A : memref<!tpu.dma_semaphore, #tpu.memory_space<semaphore_mem>>) src(%dma_wait3A_184 : memref<1x49152xf32, #tpu.memory_space<hbm>>) dst(%arg6 : memref<1x49152xf32, #tpu.memory_space<vmem>>)
          tpu.yield
        }) : () -> ()
      } else {
      }
      %slice3A_175 = vector.extract_strided_slice %get3A_23 {offsets = [15], sizes = [1], strides = [1]} : vector<16xi32> to vector<1xi32>
      %squeeze3A_176 = vector.extract %slice3A_175[0] : i32 from vector<1xi32>
      "tpu.region"() ({
        %run_scoped3A = tpu.sem_alloc : memref<!tpu.dma_semaphore, #tpu.memory_space<semaphore_mem>>
        %dma_start3A = arith.constant 0 : i32
        %dma_start3A_179 = tpu.memref_slice %arg4[%squeeze3A_176, %dma_start3A] : memref<1024x49152xf32, #tpu.memory_space<hbm>> -> memref<1x49152xf32, #tpu.memory_space<hbm>>
        %dma_start3A_180 = arith.constant 0 : i32
        %dma_start3A_181 = tpu.memref_slice %arg4[%squeeze3A_176, %dma_start3A_180] : memref<1024x49152xf32, #tpu.memory_space<hbm>> -> memref<1x49152xf32, #tpu.memory_space<hbm>>
        tpu.enqueue_dma source(%arg6 : memref<1x49152xf32, #tpu.memory_space<vmem>>) target(%dma_start3A_181 : memref<1x49152xf32, #tpu.memory_space<hbm>>) target_semaphore(%run_scoped3A : memref<!tpu.dma_semaphore, #tpu.memory_space<semaphore_mem>>)
        %dma_wait3A = arith.constant 0 : i32
        %dma_wait3A_182 = tpu.memref_slice %arg4[%squeeze3A_176, %dma_wait3A] : memref<1024x49152xf32, #tpu.memory_space<hbm>> -> memref<1x49152xf32, #tpu.memory_space<hbm>>
        %dma_wait3A_183 = arith.constant 0 : i32
        %dma_wait3A_184 = tpu.memref_slice %arg4[%squeeze3A_176, %dma_wait3A_183] : memref<1024x49152xf32, #tpu.memory_space<hbm>> -> memref<1x49152xf32, #tpu.memory_space<hbm>>
        tpu.wait_dma2 semaphore(%run_scoped3A : memref<!tpu.dma_semaphore, #tpu.memory_space<semaphore_mem>>) src(%arg6 : memref<1x49152xf32, #tpu.memory_space<vmem>>) dst(%dma_wait3A_184 : memref<1x49152xf32, #tpu.memory_space<hbm>>)
        tpu.yield
      }) : () -> ()
      %slice3A_177 = vector.extract_strided_slice %get3A_16 {offsets = [15], sizes = [1], strides = [1]} : vector<16xi32> to vector<1xi32>
      %squeeze3A_178 = vector.extract %slice3A_177[0] : i32 from vector<1xi32>
      scf.yield %squeeze3A_178 : i32
    }
    %scan3A_10 = arith.constant 2 : i32
    return
  }
}

</mosaic_0001>

<sc_bundles>
// kernel: kernel.3.cloned.1.call-start
scs
__scs_entry_jumppad:
0x0: {  	(pc) =	sbr.rel $0x88, $3  }
0x1: {  	(tag) =	ssettag $0x0;
	lr =	simm.s32 $0x1  }
0x2: {  	[smem:$0x3F9F] =	sst lr;
	_ =	strace $0xD0000000  }
0x3: {  	_ = 	snop  }
0x4: {  	_ = 	snop  }
0x5: {  	_ = 	snop  }
0x6: {  	_ = 	snop  }
0x7: {  	_ = 	snop  }
__scs_overlays_trampoline_lowered:
0x8: {  	[smem:$0x3FAE] =	sst s0  }
0x9: {  	[smem:$0x3FAF] =	sst s1  }
0xa: {  	[smem:$0x3FB0] =	sst s2  }
0xb: {  	[smem:$0x3FB1] =	sst s3  }
0xc: {  	[smem:$0x3FB2] =	sst s4  }
0xd: {  	[smem:$0x3FB3] =	sst s5  }
0xe: {  	[smem:$0x3FB4] =	sst s6  }
0xf: {  	[smem:$0x3FB5] =	sst s7  }
0x10: {  	[smem:$0x3FB6] =	sst s8  }
0x11: {  	[smem:$0x3FB7] =	sst s9;
	s0 =	simm.s32 @!p0 $0x0  }
0x12: {  	s1 =	sld [smem:$0x3F9D];
	s0 =	simm.s32 @p0 $0x1  }
0x13: {  	[smem:$0x3FB8] =	sst s0;
	s0 =	simm.s32 @!p1 $0x0  }
0x14: {  	s2 =	sld [smem:$0x3F9C];
	s0 =	simm.s32 @p1 $0x1  }
0x15: {  	[smem:$0x3FB9] =	sst s0;
	s0 =	simm.s32 @!p2 $0x0  }
0x16: {  	s3 =	sld [smem:$0x3FDB];
	s0 =	simm.s32 @p2 $0x1  }
0x17: {  	s4 =	simm.s32 $0x1BF5;
	[smem:$0x3FBB] =	sst s0  }
0x18: {  	s0 =	sld [smem:$0x3F9E];
	_ =	swait.ge [sflag:s4], $0x0  }
0x19: {  	s7 =	sld [smem:$0x3F9F]  }
0x1a: {  	s8 =	sadd.s32 $0xFFFFE003, lr  }
0x1b: {  	s9 =	sadd.s32 $0xFFFFFEF7, lr;
	s5 =	simm.s32 $0xFFFFFFFF;
	p2 =	slt.u32 s8, $0xFFFFF086  }
0x1c: {  	p1 =	slt.u32 s9, $0xF7A;
	s5 =	simm.s32 @!p2 $0x0  }
0x1d: {  	s5 =	simm.s32 @p1 $0x1;
	p0 =	seq.s32 s7, s2  }
0x1e: {  	s7 =	smul.u32 @!p0 $0xF7A, s2;
	p2 =	seq.s32 @!p0 s5, $0x0  }
0x1f: {  	s9 =	smul.u32 $0xF7A, s1;
	s8 =	simm.s32 @!p0 $0x1BF5;
	p2 =	por !p2, p0  }
0x20: {  	[sflag:s8] =	ssyncset.s32 @!p0 $0xFFFFF086;
	s6 =	sadd.s32 @!p0 s3, s7;
	s7 =	simm.s32 @!p0 $0x108  }
0x21: {  	s3 =	sadd.s32 s3, s9;
	s6 =	sadd.s32 @!p0 $0x88, s6;
	s7 =	simm.s32 @p2 $0x1082  }
0x22: {  	[simem:s7], [sflag:s8] =	dma.local @!p0 [hbm:s6], $0xF7A  }
0x23: {  	s9 =	sor.u32 $0xD0000000, s2;
	s6 =	simm.s32 $0x108;
	_ =	swait.ge @!p0 [sflag:s8], $0x0  }
0x24: {  	s3 =	sadd.s32 $0x88, s3;
	s6 =	simm.s32 @!p1 $0x1082;
	[sflag:s4] =	ssyncset.s32 $0xFFFFF086  }
0x25: {  	[simem:s6], [sflag:s4] =	dma.local [hbm:s3], $0xF7A  }
0x26: {  	[smem:$0x3F9F] =	sst s1;
	(tag) =	ssettag s2;
	_ =	strace s9  }
0x27: {  	s1 =	sld [smem:$0x3FAF]  }
0x28: {  	s2 =	sld [smem:$0x3FB0]  }
0x29: {  	s4 =	sld [smem:$0x3FB2]  }
0x2a: {  	p0 =	seq.s32 s5, $0x0;
	s5 =	sld [smem:$0x3FB3]  }
0x2b: {  	s6 =	sld [smem:$0x3FB4]  }
0x2c: {  	s7 =	sld [smem:$0x3FB5]  }
0x2d: {  	s3 =	simm.s32 $0x108;
	s8 =	sld [smem:$0x3FB6]  }
0x2e: {  	s3 =	simm.s32 @!p0 $0x1082;
	s9 =	sld [smem:$0x3FB7]  }
0x2f: {  	lr =	sadd.s32 s0, s3;
	s0 =	sld [smem:$0x3FAE]  }
0x30: {  	s3 =	sld [smem:$0x3FB1]  }
0x31: {  	[smem:$0x3FBA] =	sst s10  }
0x32: {  	s10 =	sld [smem:$0x3FB8];
	_ =	sdelay $0x3  }
0x33: {  	p0 =	seq.s32 s10, $0x1;
	s10 =	sld [smem:$0x3FBA];
	_ =	sdelay $0x3  }
0x34: {  	[smem:$0x3FBA] =	sst s10  }
0x35: {  	s10 =	sld [smem:$0x3FB9];
	_ =	sdelay $0x3  }
0x36: {  	p1 =	seq.s32 s10, $0x1;
	s10 =	sld [smem:$0x3FBA];
	_ =	sdelay $0x3  }
0x37: {  	[smem:$0x3FBA] =	sst s10  }
0x38: {  	s10 =	sld [smem:$0x3FBB]  }
0x39: {  	_ = 	snop;
	(pc) =	sbr.ind lr, $3  }
0x3a: {  	_ = 	snop  }
0x3b: {  	_ = 	snop  }
0x3c: {  	p2 =	seq.s32 s10, $0x1;
	s10 =	sld [smem:$0x3FBA]  }
0x3d: {  	_ =	shalt  }
0x3e: {  	_ =	shalt  }
0x3f: {  	_ =	shalt  }
0x40: {  	_ =	shalt  }
0x41: {  	_ =	shalt  }
0x42: {  	_ =	shalt  }
0x43: {  	_ =	shalt  }
0x44: {  	_ =	shalt  }
0x45: {  	_ =	shalt  }
0x46: {  	_ =	shalt  }
0x47: {  	_ =	shalt  }
0x48: {  	_ =	shalt  }
0x49: {  	_ =	shalt  }
0x4a: {  	_ =	shalt  }
0x4b: {  	_ =	shalt  }
0x4c: {  	_ =	shalt  }
0x4d: {  	_ =	shalt  }
0x4e: {  	_ =	shalt  }
0x4f: {  	_ =	shalt  }
0x50: {  	_ =	shalt  }
0x51: {  	_ =	shalt  }
0x52: {  	_ =	shalt  }
0x53: {  	_ =	shalt  }
0x54: {  	_ =	shalt  }
0x55: {  	_ =	shalt  }
0x56: {  	_ =	shalt  }
0x57: {  	_ =	shalt  }
0x58: {  	_ =	shalt  }
0x59: {  	_ =	shalt  }
0x5a: {  	_ =	shalt  }
0x5b: {  	_ =	shalt  }
0x5c: {  	_ =	shalt  }
0x5d: {  	_ =	shalt  }
0x5e: {  	_ =	shalt  }
0x5f: {  	_ =	shalt  }
0x60: {  	_ =	shalt  }
0x61: {  	_ =	shalt  }
0x62: {  	_ =	shalt  }
0x63: {  	_ =	shalt  }
0x64: {  	_ =	shalt  }
0x65: {  	_ =	shalt  }
0x66: {  	_ =	shalt  }
0x67: {  	_ =	shalt  }
0x68: {  	_ =	shalt  }
0x69: {  	_ =	shalt  }
0x6a: {  	_ =	shalt  }
0x6b: {  	_ =	shalt  }
0x6c: {  	_ =	shalt  }
0x6d: {  	_ =	shalt  }
0x6e: {  	_ =	shalt  }
0x6f: {  	_ =	shalt  }
0x70: {  	_ =	shalt  }
0x71: {  	_ =	shalt  }
0x72: {  	_ =	shalt  }
0x73: {  	_ =	shalt  }
0x74: {  	_ =	shalt  }
0x75: {  	_ =	shalt  }
0x76: {  	_ =	shalt  }
0x77: {  	_ =	shalt  }
0x78: {  	_ =	shalt  }
0x79: {  	_ =	shalt  }
0x7a: {  	_ =	shalt  }
0x7b: {  	_ =	shalt  }
0x7c: {  	_ =	shalt  }
0x7d: {  	_ =	shalt  }
0x7e: {  	_ =	shalt  }
0x7f: {  	_ =	shalt  }
0x80: {  	_ =	shalt  }
0x81: {  	_ =	shalt  }
0x82: {  	_ =	shalt  }
0x83: {  	_ =	shalt  }
0x84: {  	_ =	shalt  }
0x85: {  	_ =	shalt  }
0x86: {  	_ =	shalt  }
0x87: {  	_ =	shalt  }
.Lfunc_end0:
.L_simem_size_0:
called_computation_lowered:
.L_overlay_start_0:
0x88: {  	s2 =	sld [smem:$0x3FD9]  }
0x89: {  	s3 =	sld [smem:$0x3FFE];
	_ =	sdelay $0x1  }
0x8a: {  	s1 =	srdreg.scid  }
0x8b: {  	s0 =	sand.u32 $0x1, s1  }
0x8c: {  	s17 =	sshll.u32 s0, $0xA;
	s2 =	sadd.s32 s3, s2  }
0x8d: {  	s2 =	sadd.s32 s2, s17  }
0x8e: {  	[smem:$0x3FC6] =	sst s2  }
0x8f: {  	_ = 	snop  }
0x90: {  	s2 =	sld [smem:$0x3FC8]  }
0x91: {  	s18 =	sld [smem:$0x3FD0];
	(tm) =	ssettm $0x1  }
0x92: {  	s4 =	sld [smem:$0x3FFB];
	_ =	sdelay $0x3  }
0x93: {  	_ =	strace s4  }
0x94: {  	s4 =	sld [smem:$0x3FFC];
	_ =	sdelay $0x3  }
0x95: {  	_ =	strace s4  }
0x96: {  	s4 =	sld [smem:$0x3FFD];
	_ =	sdelay $0x3  }
0x97: {  	_ =	strace s4  }
0x98: {  	_ =	strace $0x8FFFFFFF  }
0x99: {  	s19 =	sld [smem:$0x3FDB];
	_ =	sdelay $0x1  }
0x9a: {  	s5 =	simm.s32 $_scs_section_size  }
0x9b: {  	s6 =	simm.s32 $_size__tile_overlayer_lowered;
	s7 =	simm.s32 $_tile_overlayer_lowered  }
0x9c: {  	s22 =	simm.s32 $0x1BFF;
	s21 =	sshll.u32 s7, $0x1;
	s4 =	sadd.s32 s5, s19  }
0x9d: {  	s8 =	simm.s32 $0x0;
	s20 =	sshll.u32 s6, $0x1;
	s6 =	sadd.s32 s21, s4  }
0x9e: {  	[timem:s8], [sflag:s22] =	dma.local [hbm:s6], s20  }
0x9f: {  	_ =	swait.ge [sflag:s22], s20  }
0xa0: {  	s5 =	ssub.s32 $0x0, s20;
	[sflag:s22] =	ssyncset.done $0x0  }
0xa1: {  	[sflag:s22] =	ssyncadd.s32 s5;
	_ =	sdelay $0x1  }
0xa2: {  	s23 =	simm.s32 $0x1B8B  }
0xa3: {  	_ =	swait.ge [sflag:s23], $0x1  }
0xa4: {  	[sflag:s23] =	ssyncset.done $0x0  }
0xa5: {  	s25 =	simm.s32 $0x1B8E;
	s24 =	sld [smem:$0x3FFE];
	[sflag:s23] =	ssyncadd.s32 $0xFFFFFFFF  }
0xa6: {  	s26 =	simm.s32 $execute0_lowered;
	[smem:$0x3FD2] =	sst s25  }
0xa7: {  	s6 =	sshll.u32 s26, $0x1;
	_ =	strace $0x80000046;
	[dreg:$0x1] =	wrdreg $0xFFFFFFFF  }
0xa8: {  	s28 =	simm.s32 $_size_execute0_lowered;
	s4 =	sadd.s32 s4, s6;
	[dreg:$0x0] =	wrdreg $0x0  }
0xa9: {  	s6 =	sshll.u32 s28, $0x1;
	[dreg:$0x2] =	wrdreg s4  }
0xaa: {  	[dreg:$0x3] =	wrdreg s6  }
0xab: {  	[dreg:$0x4] =	wrdreg $0xC0  }
0xac: {  	_ =	task [dreg:s8], $0x5FFFF  }
0xad: {  	[dreg:$0x1] =	wrdreg $0xFFFFFFFF  }
0xae: {  	[dreg:$0x0] =	wrdreg $0x60  }
0xaf: {  	[dreg:$0x2] =	wrdreg s24  }
0xb0: {  	[dreg:$0x3] =	wrdreg s2  }
0xb1: {  	[dreg:$0x4] =	wrdreg s18  }
0xb2: {  	[dreg:$0x5] =	wrdreg $0x9  }
0xb3: {  	_ =	task.clear_ibuf [dreg:s8], $0x6FFFF;
	_ =	strace $0x90000046  }
0xb4: {  	s29 =	simm.s32 $0x9;
	_ =	strace $0x80000048  }
0xb5: {  	_ =	swait.ge [sflag:s29], $0x1  }
0xb6: {  	[sflag:s29] =	ssyncadd.s32 $0xFFFFFFFF  }
0xb7: {  	_ =	strace $0x90000048  }
0xb8: {  	_ =	sfence  }
0xb9: {  	s30 =	sld [smem:$0x0];
	_ =	sdelay $0x2  }
0xba: {  	s31 =	sshll.u32 s1, $0xD;
	s1 =	sshrl.u32 s1, $0x2  }
0xbb: {  	s3 =	sand.u32 $0x4000, s31;
	s1 =	sadd.s32 s1, s30  }
0xbc: {  	s0 =	sor.u32 s3, s0;
	s1 =	sshll.u32 s1, $0x11  }
0xbd: {  	s0 =	sor.u32 s1, s0  }
0xbe: {  	s0 =	sadd.s32 $0x8F2B, s0  }
0xbf: {  	[sflag:s0] =	ssyncadd.remote.s32 $0x1  }
0xc0: {  	_ =	sfence.sel $0xFFFF  }
0xc1: {  	[dreg:$0x0] =	wrdreg $0xFFFFFFFF;
	(pc) =	sbr.abs _section_cstart, $3  }
0xc2: {  	[dreg:$0x1] =	wrdreg $0xFFFFFFFF  }
0xc3: {  	_ =	task.clear_ibuf [dreg:s8], $0x2FFFF;
	_ =	strace $0x9FFFFFFF  }
0xc4: {  	(tm) =	ssettm $0x7FFFFFFF  }
0xc5: {  	_ =	shalt  }
tec
execute0_lowered:
.L_overlay_start_1:
0x0: {  	(tag) =	ssettag $0x1  }
0x1: {  	s5 =	rddreg [dreg:$0x0]  }
0x2: {  	s1 =	rddreg [dreg:$0x1]  }
0x3: {  	s2 =	rddreg [dreg:$0x2]  }
0x4: {  	s0 =	rddreg [dreg:$0x3]  }
0x5: {  	s3 =	simm.s32 $0x0;
	s4 =	srdreg.scid;
	s9 =	simm.s32 $0x80  }
0x6: {  	s10 =	simm.s32 $0x0;
	[smem:$0x7FF] =	sst s3;
	s6 =	sand.u32 $0x1, s4  }
0x7: {  	s4 =	stileid.u32;
	s7 =	ssub.s32 $0x2, s6;
	s6 =	sshll.u32 s6, $0x3  }
0x8: {  	s31 =	sshll.u32 s4, $0x4;
	s8 =	sshrl.u32 s7, $0x1;
	s5 =	sadd.s32 s5, s6  }
0x9: {  	_ =	strace $0x80000047;
	s7 =	ssub.s32 s7, s8;
	s5 =	sadd.s32 s31, s5  }
0xa: {  	s8 =	simm.s32 $0x400;
	s6 =	smax.u32 s7, $0x1;
	s7 =	simm.s32 $0x1  }
.LBB2_1:
0xb: {  	[tilespmem:s3], [sflag:$0x1] =	stream.linear.gather [hbm4b:s5+s3], $0x40, $0x38;
	[tilespmem:$0xC080] =	vst v63  }
0xc: {  	_ =	swait.ge [sflag:s7], $0x40  }
0xd: {  	p0 =	por $0x1, $0x1;
	[sflag:s7] =	ssyncset.done $0x0  }
0xe: {  	s11 =	simm.s32 $0xFFFFFFFF;
	s12 =	simm.s32 $0x0;
	[sflag:s7] =	ssyncadd.s32 $0xFFFFFFC0  }
.LBB2_2:
0xf: {  	s12 =	sshra.s32 s12, $0x2  }
0x10: {  	v1 =	vld [tilespmem:s12+$0x0];
	_ =	sdelay $0x4  }
0x11: {  	(v2sf) =	vpush v1, $0x0;
	_ =	sdelay $0xe  }
0x12: {  	s13 =	spop (v2sf)  }
0x13: {  	p1 =	seq.s32 s13, s11  }
0x14: {  	s11 =	sshrl.u32 @!p1 s13, $0x3  }
0x15: {  	s14 =	sshll.u32 @!p1 s13, $0x7;
	s11 =	smul.u32 @!p1 $0x60000, s11  }
0x16: {  	s14 =	sand.u32 @!p1 $0x380, s14  }
0x17: {  	s11 =	sor.u32 @!p1 s14, s11  }
0x18: {  	v0 =	vld [tilespmem:s12+$0x20];
	s11 =	sshrl.u32 @!p1 s11, $0x3  }
0x19: {  	s12 =	simm.s32 @!p1 $0x400;
	s14 =	simm.s32 @!p1 $0x80;
	s11 =	sadd.s32 @!p1 s1, s11  }
0x1a: {  	[tilespmem:s14], [sflag:$0x1] =	stream.strided.gather @!p1 [hbm4b:s11+s14], $0xC000, s12, s14, $0x38;
	[tilespmem:$0xC080] =	vst v63  }
0x1b: {  	s11 =	simm.s32 @!p1 $0x1  }
0x1c: {  	_ =	swait.ge @!p1 [sflag:s11], $0xC000  }
0x1d: {  	(v2sf) =	vpush v0, $0x0;
	_ =	sdelay $0xe  }
0x1e: {  	s15 =	spop (v2sf)  }
0x1f: {  	s16 =	sshrl.u32 s15, $0x3  }
0x20: {  	s12 =	sshll.u32 s15, $0x7;
	s14 =	smul.u32 $0x60000, s16  }
0x21: {  	s12 =	sand.u32 $0x380, s12  }
0x22: {  	s12 =	sor.u32 s12, s14  }
0x23: {  	[sflag:s11] =	ssyncset.done @!p1 $0x0;
	s12 =	sshrl.u32 s12, $0x3  }
0x24: {  	[sflag:s11] =	ssyncadd.s32 @!p1 $0xFFFF4000;
	s17 =	sadd.s32 s2, s12  }
0x25: {  	[hbm4b:s17+s9] =	stream.strided.scatter [tilespmem:s9], [sflag:$0x1], $0xC000, s8, s9, $0x38;
	[tilespmem:$0xC080] =	vst v63  }
0x26: {  	_ =	swait.ge [sflag:s7], $0xC000  }
0x27: {  	(v2sf) =	vpush v1, $0x1;
	_ =	sdelay $0xe  }
0x28: {  	s11 =	spop (v2sf)  }
0x29: {  	p1 =	seq.s32 s11, s13  }
0x2a: {  	s12 =	sshrl.u32 @!p1 s11, $0x3  }
0x2b: {  	s13 =	sshll.u32 @!p1 s11, $0x7;
	s12 =	smul.u32 @!p1 $0x60000, s12  }
0x2c: {  	s13 =	sand.u32 @!p1 $0x380, s13  }
0x2d: {  	[sflag:s7] =	ssyncset.done $0x0;
	s12 =	sor.u32 @!p1 s13, s12  }
0x2e: {  	[sflag:s7] =	ssyncadd.s32 $0xFFFF4000;
	s12 =	sshrl.u32 @!p1 s12, $0x3  }
0x2f: {  	s14 =	simm.s32 @!p1 $0x80;
	s13 =	simm.s32 @!p1 $0x400;
	s12 =	sadd.s32 @!p1 s1, s12  }
0x30: {  	[tilespmem:s14], [sflag:$0x1] =	stream.strided.gather @!p1 [hbm4b:s12+s14], $0xC000, s13, s14, $0x38;
	[tilespmem:$0xC080] =	vst v63  }
0x31: {  	s12 =	simm.s32 @!p1 $0x1  }
0x32: {  	_ =	swait.ge @!p1 [sflag:s12], $0xC000  }
0x33: {  	(v2sf) =	vpush v0, $0x1;
	_ =	sdelay $0xe  }
0x34: {  	s18 =	spop (v2sf)  }
0x35: {  	s19 =	sshrl.u32 s18, $0x3  }
0x36: {  	s13 =	sshll.u32 s18, $0x7;
	s14 =	smul.u32 $0x60000, s19  }
0x37: {  	s13 =	sand.u32 $0x380, s13  }
0x38: {  	s13 =	sor.u32 s13, s14  }
0x39: {  	[sflag:s12] =	ssyncset.done @!p1 $0x0;
	s13 =	sshrl.u32 s13, $0x3  }
0x3a: {  	[sflag:s12] =	ssyncadd.s32 @!p1 $0xFFFF4000;
	s20 =	sadd.s32 s2, s13  }
0x3b: {  	[hbm4b:s20+s9] =	stream.strided.scatter [tilespmem:s9], [sflag:$0x1], $0xC000, s8, s9, $0x38;
	[tilespmem:$0xC080] =	vst v63  }
0x3c: {  	_ =	swait.ge [sflag:s7], $0xC000  }
0x3d: {  	(v2sf) =	vpush v1, $0x2;
	_ =	sdelay $0xe  }
0x3e: {  	s12 =	spop (v2sf)  }
0x3f: {  	p1 =	seq.s32 s12, s11  }
0x40: {  	s11 =	sshrl.u32 @!p1 s12, $0x3  }
0x41: {  	s13 =	sshll.u32 @!p1 s12, $0x7;
	s11 =	smul.u32 @!p1 $0x60000, s11  }
0x42: {  	s13 =	sand.u32 @!p1 $0x380, s13  }
0x43: {  	[sflag:s7] =	ssyncset.done $0x0;
	s11 =	sor.u32 @!p1 s13, s11  }
0x44: {  	[sflag:s7] =	ssyncadd.s32 $0xFFFF4000;
	s11 =	sshrl.u32 @!p1 s11, $0x3  }
0x45: {  	s14 =	simm.s32 @!p1 $0x80;
	s13 =	simm.s32 @!p1 $0x400;
	s11 =	sadd.s32 @!p1 s1, s11  }
0x46: {  	[tilespmem:s14], [sflag:$0x1] =	stream.strided.gather @!p1 [hbm4b:s11+s14], $0xC000, s13, s14, $0x38;
	[tilespmem:$0xC080] =	vst v63  }
0x47: {  	s11 =	simm.s32 @!p1 $0x1  }
0x48: {  	_ =	swait.ge @!p1 [sflag:s11], $0xC000  }
0x49: {  	(v2sf) =	vpush v0, $0x2;
	_ =	sdelay $0xe  }
0x4a: {  	s21 =	spop (v2sf)  }
0x4b: {  	s22 =	sshrl.u32 s21, $0x3  }
0x4c: {  	s13 =	sshll.u32 s21, $0x7;
	s14 =	smul.u32 $0x60000, s22  }
0x4d: {  	s13 =	sand.u32 $0x380, s13  }
0x4e: {  	s13 =	sor.u32 s13, s14  }
0x4f: {  	[sflag:s11] =	ssyncset.done @!p1 $0x0;
	s13 =	sshrl.u32 s13, $0x3  }
0x50: {  	[sflag:s11] =	ssyncadd.s32 @!p1 $0xFFFF4000;
	s23 =	sadd.s32 s2, s13  }
0x51: {  	[hbm4b:s23+s9] =	stream.strided.scatter [tilespmem:s9], [sflag:$0x1], $0xC000, s8, s9, $0x38;
	[tilespmem:$0xC080] =	vst v63  }
0x52: {  	_ =	swait.ge [sflag:s7], $0xC000  }
0x53: {  	(v2sf) =	vpush v1, $0x3;
	_ =	sdelay $0xe  }
0x54: {  	s11 =	spop (v2sf)  }
0x55: {  	p1 =	seq.s32 s11, s12  }
0x56: {  	s12 =	sshrl.u32 @!p1 s11, $0x3  }
0x57: {  	s13 =	sshll.u32 @!p1 s11, $0x7;
	s12 =	smul.u32 @!p1 $0x60000, s12  }
0x58: {  	s13 =	sand.u32 @!p1 $0x380, s13  }
0x59: {  	[sflag:s7] =	ssyncset.done $0x0;
	s12 =	sor.u32 @!p1 s13, s12  }
0x5a: {  	[sflag:s7] =	ssyncadd.s32 $0xFFFF4000;
	s12 =	sshrl.u32 @!p1 s12, $0x3  }
0x5b: {  	s14 =	simm.s32 @!p1 $0x80;
	s13 =	simm.s32 @!p1 $0x400;
	s12 =	sadd.s32 @!p1 s1, s12  }
0x5c: {  	[tilespmem:s14], [sflag:$0x1] =	stream.strided.gather @!p1 [hbm4b:s12+s14], $0xC000, s13, s14, $0x38;
	[tilespmem:$0xC080] =	vst v63  }
0x5d: {  	s12 =	simm.s32 @!p1 $0x1  }
0x5e: {  	_ =	swait.ge @!p1 [sflag:s12], $0xC000  }
0x5f: {  	(v2sf) =	vpush v0, $0x3;
	_ =	sdelay $0xe  }
0x60: {  	s24 =	spop (v2sf)  }
0x61: {  	s25 =	sshrl.u32 s24, $0x3  }
0x62: {  	s13 =	sshll.u32 s24, $0x7;
	s14 =	smul.u32 $0x60000, s25  }
0x63: {  	s13 =	sand.u32 $0x380, s13  }
0x64: {  	s13 =	sor.u32 s13, s14  }
0x65: {  	[sflag:s12] =	ssyncset.done @!p1 $0x0;
	s13 =	sshrl.u32 s13, $0x3  }
0x66: {  	[sflag:s12] =	ssyncadd.s32 @!p1 $0xFFFF4000;
	s26 =	sadd.s32 s2, s13  }
0x67: {  	[hbm4b:s26+s9] =	stream.strided.scatter [tilespmem:s9], [sflag:$0x1], $0xC000, s8, s9, $0x38;
	[tilespmem:$0xC080] =	vst v63  }
0x68: {  	_ =	swait.ge [sflag:s7], $0xC000  }
0x69: {  	(v2sf) =	vpush v1, $0x4;
	_ =	sdelay $0xe  }
0x6a: {  	s12 =	spop (v2sf)  }
0x6b: {  	p1 =	seq.s32 s12, s11  }
0x6c: {  	s11 =	sshrl.u32 @!p1 s12, $0x3  }
0x6d: {  	s13 =	sshll.u32 @!p1 s12, $0x7;
	s11 =	smul.u32 @!p1 $0x60000, s11  }
0x6e: {  	s13 =	sand.u32 @!p1 $0x380, s13  }
0x6f: {  	[sflag:s7] =	ssyncset.done $0x0;
	s11 =	sor.u32 @!p1 s13, s11  }
0x70: {  	[sflag:s7] =	ssyncadd.s32 $0xFFFF4000;
	s11 =	sshrl.u32 @!p1 s11, $0x3  }
0x71: {  	s14 =	simm.s32 @!p1 $0x80;
	s13 =	simm.s32 @!p1 $0x400;
	s11 =	sadd.s32 @!p1 s1, s11  }
0x72: {  	[tilespmem:s14], [sflag:$0x1] =	stream.strided.gather @!p1 [hbm4b:s11+s14], $0xC000, s13, s14, $0x38;
	[tilespmem:$0xC080] =	vst v63  }
0x73: {  	s11 =	simm.s32 @!p1 $0x1  }
0x74: {  	_ =	swait.ge @!p1 [sflag:s11], $0xC000  }
0x75: {  	(v2sf) =	vpush v0, $0x4;
	_ =	sdelay $0xe  }
0x76: {  	s28 =	spop (v2sf)  }
0x77: {  	s29 =	sshrl.u32 s28, $0x3  }
0x78: {  	s13 =	sshll.u32 s28, $0x7;
	s14 =	smul.u32 $0x60000, s29  }
0x79: {  	s13 =	sand.u32 $0x380, s13  }
0x7a: {  	s13 =	sor.u32 s13, s14  }
0x7b: {  	[sflag:s11] =	ssyncset.done @!p1 $0x0;
	s13 =	sshrl.u32 s13, $0x3  }
0x7c: {  	[sflag:s11] =	ssyncadd.s32 @!p1 $0xFFFF4000;
	s30 =	sadd.s32 s2, s13  }
0x7d: {  	[hbm4b:s30+s9] =	stream.strided.scatter [tilespmem:s9], [sflag:$0x1], $0xC000, s8, s9, $0x38;
	[tilespmem:$0xC080] =	vst v63  }
0x7e: {  	_ =	swait.ge [sflag:s7], $0xC000  }
0x7f: {  	(v2sf) =	vpush v1, $0x5;
	_ =	sdelay $0xe  }
0x80: {  	s11 =	spop (v2sf)  }
0x81: {  	p1 =	seq.s32 s11, s12  }
0x82: {  	s12 =	sshrl.u32 @!p1 s11, $0x3  }
0x83: {  	s13 =	sshll.u32 @!p1 s11, $0x7;
	s12 =	smul.u32 @!p1 $0x60000, s12  }
0x84: {  	s13 =	sand.u32 @!p1 $0x380, s13  }
0x85: {  	[sflag:s7] =	ssyncset.done $0x0;
	s12 =	sor.u32 @!p1 s13, s12  }
0x86: {  	[sflag:s7] =	ssyncadd.s32 $0xFFFF4000;
	s12 =	sshrl.u32 @!p1 s12, $0x3  }
0x87: {  	s14 =	simm.s32 @!p1 $0x80;
	s13 =	simm.s32 @!p1 $0x400;
	s12 =	sadd.s32 @!p1 s1, s12  }
0x88: {  	[tilespmem:s14], [sflag:$0x1] =	stream.strided.gather @!p1 [hbm4b:s12+s14], $0xC000, s13, s14, $0x38;
	[tilespmem:$0xC080] =	vst v63  }
0x89: {  	s12 =	simm.s32 @!p1 $0x1  }
0x8a: {  	_ =	swait.ge @!p1 [sflag:s12], $0xC000  }
0x8b: {  	(v2sf) =	vpush v0, $0x5;
	_ =	sdelay $0xe  }
0x8c: {  	s31 =	spop (v2sf)  }
0x8d: {  	s15 =	sshrl.u32 s31, $0x3  }
0x8e: {  	s13 =	sshll.u32 s31, $0x7;
	s14 =	smul.u32 $0x60000, s15  }
0x8f: {  	s13 =	sand.u32 $0x380, s13  }
0x90: {  	s13 =	sor.u32 s13, s14  }
0x91: {  	[sflag:s12] =	ssyncset.done @!p1 $0x0;
	s13 =	sshrl.u32 s13, $0x3  }
0x92: {  	[sflag:s12] =	ssyncadd.s32 @!p1 $0xFFFF4000;
	s16 =	sadd.s32 s2, s13  }
0x93: {  	[hbm4b:s16+s9] =	stream.strided.scatter [tilespmem:s9], [sflag:$0x1], $0xC000, s8, s9, $0x38;
	[tilespmem:$0xC080] =	vst v63  }
0x94: {  	_ =	swait.ge [sflag:s7], $0xC000  }
0x95: {  	(v2sf) =	vpush v1, $0x6;
	_ =	sdelay $0xe  }
0x96: {  	s12 =	spop (v2sf)  }
0x97: {  	p1 =	seq.s32 s12, s11  }
0x98: {  	s11 =	sshrl.u32 @!p1 s12, $0x3  }
0x99: {  	s13 =	sshll.u32 @!p1 s12, $0x7;
	s11 =	smul.u32 @!p1 $0x60000, s11  }
0x9a: {  	s13 =	sand.u32 @!p1 $0x380, s13  }
0x9b: {  	[sflag:s7] =	ssyncset.done $0x0;
	s11 =	sor.u32 @!p1 s13, s11  }
0x9c: {  	[sflag:s7] =	ssyncadd.s32 $0xFFFF4000;
	s11 =	sshrl.u32 @!p1 s11, $0x3  }
0x9d: {  	s14 =	simm.s32 @!p1 $0x80;
	s13 =	simm.s32 @!p1 $0x400;
	s11 =	sadd.s32 @!p1 s1, s11  }
0x9e: {  	[tilespmem:s14], [sflag:$0x1] =	stream.strided.gather @!p1 [hbm4b:s11+s14], $0xC000, s13, s14, $0x38;
	[tilespmem:$0xC080] =	vst v63  }
0x9f: {  	s11 =	simm.s32 @!p1 $0x1  }
0xa0: {  	_ =	swait.ge @!p1 [sflag:s11], $0xC000  }
0xa1: {  	(v2sf) =	vpush v0, $0x6;
	_ =	sdelay $0xe  }
0xa2: {  	s17 =	spop (v2sf)  }
0xa3: {  	s18 =	sshrl.u32 s17, $0x3  }
0xa4: {  	s13 =	sshll.u32 s17, $0x7;
	s14 =	smul.u32 $0x60000, s18  }
0xa5: {  	s13 =	sand.u32 $0x380, s13  }
0xa6: {  	s13 =	sor.u32 s13, s14  }
0xa7: {  	[sflag:s11] =	ssyncset.done @!p1 $0x0;
	s13 =	sshrl.u32 s13, $0x3  }
0xa8: {  	[sflag:s11] =	ssyncadd.s32 @!p1 $0xFFFF4000;
	s19 =	sadd.s32 s2, s13  }
0xa9: {  	[hbm4b:s19+s9] =	stream.strided.scatter [tilespmem:s9], [sflag:$0x1], $0xC000, s8, s9, $0x38;
	[tilespmem:$0xC080] =	vst v63  }
0xaa: {  	_ =	swait.ge [sflag:s7], $0xC000  }
0xab: {  	(v2sf) =	vpush v1, $0x7;
	_ =	sdelay $0xe  }
0xac: {  	s11 =	spop (v2sf)  }
0xad: {  	p1 =	seq.s32 s11, s12  }
0xae: {  	s12 =	sshrl.u32 @!p1 s11, $0x3  }
0xaf: {  	s13 =	sshll.u32 @!p1 s11, $0x7;
	s12 =	smul.u32 @!p1 $0x60000, s12  }
0xb0: {  	s13 =	sand.u32 @!p1 $0x380, s13  }
0xb1: {  	[sflag:s7] =	ssyncset.done $0x0;
	s12 =	sor.u32 @!p1 s13, s12  }
0xb2: {  	[sflag:s7] =	ssyncadd.s32 $0xFFFF4000;
	s12 =	sshrl.u32 @!p1 s12, $0x3  }
0xb3: {  	s14 =	simm.s32 @!p1 $0x80;
	s13 =	simm.s32 @!p1 $0x400;
	s12 =	sadd.s32 @!p1 s1, s12  }
0xb4: {  	[tilespmem:s14], [sflag:$0x1] =	stream.strided.gather @!p1 [hbm4b:s12+s14], $0xC000, s13, s14, $0x38;
	[tilespmem:$0xC080] =	vst v63  }
0xb5: {  	s12 =	simm.s32 @!p1 $0x1  }
0xb6: {  	_ =	swait.ge @!p1 [sflag:s12], $0xC000  }
0xb7: {  	(v2sf) =	vpush v0, $0x7;
	_ =	sdelay $0xe  }
0xb8: {  	s20 =	spop (v2sf)  }
0xb9: {  	s21 =	sshrl.u32 s20, $0x3  }
0xba: {  	s13 =	sshll.u32 s20, $0x7;
	s14 =	smul.u32 $0x60000, s21  }
0xbb: {  	s13 =	sand.u32 $0x380, s13  }
0xbc: {  	s13 =	sor.u32 s13, s14  }
0xbd: {  	[sflag:s12] =	ssyncset.done @!p1 $0x0;
	s13 =	sshrl.u32 s13, $0x3  }
0xbe: {  	[sflag:s12] =	ssyncadd.s32 @!p1 $0xFFFF4000;
	s22 =	sadd.s32 s2, s13  }
0xbf: {  	[hbm4b:s22+s9] =	stream.strided.scatter [tilespmem:s9], [sflag:$0x1], $0xC000, s8, s9, $0x38;
	[tilespmem:$0xC080] =	vst v63  }
0xc0: {  	_ =	swait.ge [sflag:s7], $0xC000  }
0xc1: {  	(v2sf) =	vpush v1, $0x8;
	_ =	sdelay $0xe  }
0xc2: {  	s12 =	spop (v2sf)  }
0xc3: {  	p1 =	seq.s32 s12, s11  }
0xc4: {  	s11 =	sshrl.u32 @!p1 s12, $0x3  }
0xc5: {  	s13 =	sshll.u32 @!p1 s12, $0x7;
	s11 =	smul.u32 @!p1 $0x60000, s11  }
0xc6: {  	s13 =	sand.u32 @!p1 $0x380, s13  }
0xc7: {  	[sflag:s7] =	ssyncset.done $0x0;
	s11 =	sor.u32 @!p1 s13, s11  }
0xc8: {  	[sflag:s7] =	ssyncadd.s32 $0xFFFF4000;
	s11 =	sshrl.u32 @!p1 s11, $0x3  }
0xc9: {  	s14 =	simm.s32 @!p1 $0x80;
	s13 =	simm.s32 @!p1 $0x400;
	s11 =	sadd.s32 @!p1 s1, s11  }
0xca: {  	[tilespmem:s14], [sflag:$0x1] =	stream.strided.gather @!p1 [hbm4b:s11+s14], $0xC000, s13, s14, $0x38;
	[tilespmem:$0xC080] =	vst v63  }
0xcb: {  	s11 =	simm.s32 @!p1 $0x1  }
0xcc: {  	_ =	swait.ge @!p1 [sflag:s11], $0xC000  }
0xcd: {  	(v2sf) =	vpush v0, $0x8;
	_ =	sdelay $0xe  }
0xce: {  	s23 =	spop (v2sf)  }
0xcf: {  	s24 =	sshrl.u32 s23, $0x3  }
0xd0: {  	s13 =	sshll.u32 s23, $0x7;
	s14 =	smul.u32 $0x60000, s24  }
0xd1: {  	s13 =	sand.u32 $0x380, s13  }
0xd2: {  	s13 =	sor.u32 s13, s14  }
0xd3: {  	[sflag:s11] =	ssyncset.done @!p1 $0x0;
	s13 =	sshrl.u32 s13, $0x3  }
0xd4: {  	[sflag:s11] =	ssyncadd.s32 @!p1 $0xFFFF4000;
	s25 =	sadd.s32 s2, s13  }
0xd5: {  	[hbm4b:s25+s9] =	stream.strided.scatter [tilespmem:s9], [sflag:$0x1], $0xC000, s8, s9, $0x38;
	[tilespmem:$0xC080] =	vst v63  }
0xd6: {  	_ =	swait.ge [sflag:s7], $0xC000  }
0xd7: {  	(v2sf) =	vpush v1, $0x9;
	_ =	sdelay $0xe  }
0xd8: {  	s11 =	spop (v2sf)  }
0xd9: {  	p1 =	seq.s32 s11, s12  }
0xda: {  	s12 =	sshrl.u32 @!p1 s11, $0x3  }
0xdb: {  	s13 =	sshll.u32 @!p1 s11, $0x7;
	s12 =	smul.u32 @!p1 $0x60000, s12  }
0xdc: {  	s13 =	sand.u32 @!p1 $0x380, s13  }
0xdd: {  	[sflag:s7] =	ssyncset.done $0x0;
	s12 =	sor.u32 @!p1 s13, s12  }
0xde: {  	[sflag:s7] =	ssyncadd.s32 $0xFFFF4000;
	s12 =	sshrl.u32 @!p1 s12, $0x3  }
0xdf: {  	s14 =	simm.s32 @!p1 $0x80;
	s13 =	simm.s32 @!p1 $0x400;
	s12 =	sadd.s32 @!p1 s1, s12  }
0xe0: {  	[tilespmem:s14], [sflag:$0x1] =	stream.strided.gather @!p1 [hbm4b:s12+s14], $0xC000, s13, s14, $0x38;
	[tilespmem:$0xC080] =	vst v63  }
0xe1: {  	s12 =	simm.s32 @!p1 $0x1  }
0xe2: {  	_ =	swait.ge @!p1 [sflag:s12], $0xC000  }
0xe3: {  	(v2sf) =	vpush v0, $0x9;
	_ =	sdelay $0xe  }
0xe4: {  	s26 =	spop (v2sf)  }
0xe5: {  	s28 =	sshrl.u32 s26, $0x3  }
0xe6: {  	s13 =	sshll.u32 s26, $0x7;
	s14 =	smul.u32 $0x60000, s28  }
0xe7: {  	s13 =	sand.u32 $0x380, s13  }
0xe8: {  	s13 =	sor.u32 s13, s14  }
0xe9: {  	[sflag:s12] =	ssyncset.done @!p1 $0x0;
	s13 =	sshrl.u32 s13, $0x3  }
0xea: {  	[sflag:s12] =	ssyncadd.s32 @!p1 $0xFFFF4000;
	s29 =	sadd.s32 s2, s13  }
0xeb: {  	[hbm4b:s29+s9] =	stream.strided.scatter [tilespmem:s9], [sflag:$0x1], $0xC000, s8, s9, $0x38;
	[tilespmem:$0xC080] =	vst v63  }
0xec: {  	_ =	swait.ge [sflag:s7], $0xC000  }
0xed: {  	(v2sf) =	vpush v1, $0xA;
	_ =	sdelay $0xe  }
0xee: {  	s12 =	spop (v2sf)  }
0xef: {  	p1 =	seq.s32 s12, s11  }
0xf0: {  	s11 =	sshrl.u32 @!p1 s12, $0x3  }
0xf1: {  	s13 =	sshll.u32 @!p1 s12, $0x7;
	s11 =	smul.u32 @!p1 $0x60000, s11  }
0xf2: {  	s13 =	sand.u32 @!p1 $0x380, s13  }
0xf3: {  	[sflag:s7] =	ssyncset.done $0x0;
	s11 =	sor.u32 @!p1 s13, s11  }
0xf4: {  	[sflag:s7] =	ssyncadd.s32 $0xFFFF4000;
	s11 =	sshrl.u32 @!p1 s11, $0x3  }
0xf5: {  	s14 =	simm.s32 @!p1 $0x80;
	s13 =	simm.s32 @!p1 $0x400;
	s11 =	sadd.s32 @!p1 s1, s11  }
0xf6: {  	[tilespmem:s14], [sflag:$0x1] =	stream.strided.gather @!p1 [hbm4b:s11+s14], $0xC000, s13, s14, $0x38;
	[tilespmem:$0xC080] =	vst v63  }
0xf7: {  	s11 =	simm.s32 @!p1 $0x1  }
0xf8: {  	_ =	swait.ge @!p1 [sflag:s11], $0xC000  }
0xf9: {  	(v2sf) =	vpush v0, $0xA;
	_ =	sdelay $0xe  }
0xfa: {  	s30 =	spop (v2sf)  }
0xfb: {  	s31 =	sshrl.u32 s30, $0x3  }
0xfc: {  	s13 =	sshll.u32 s30, $0x7;
	s14 =	smul.u32 $0x60000, s31  }
0xfd: {  	s13 =	sand.u32 $0x380, s13  }
0xfe: {  	s13 =	sor.u32 s13, s14  }
0xff: {  	[sflag:s11] =	ssyncset.done @!p1 $0x0;
	s13 =	sshrl.u32 s13, $0x3  }
0x100: {  	[sflag:s11] =	ssyncadd.s32 @!p1 $0xFFFF4000;
	s15 =	sadd.s32 s2, s13  }
0x101: {  	[hbm4b:s15+s9] =	stream.strided.scatter [tilespmem:s9], [sflag:$0x1], $0xC000, s8, s9, $0x38;
	[tilespmem:$0xC080] =	vst v63  }
0x102: {  	_ =	swait.ge [sflag:s7], $0xC000  }
0x103: {  	(v2sf) =	vpush v1, $0xB;
	_ =	sdelay $0xe  }
0x104: {  	s11 =	spop (v2sf)  }
0x105: {  	p1 =	seq.s32 s11, s12  }
0x106: {  	s12 =	sshrl.u32 @!p1 s11, $0x3  }
0x107: {  	s13 =	sshll.u32 @!p1 s11, $0x7;
	s12 =	smul.u32 @!p1 $0x60000, s12  }
0x108: {  	s13 =	sand.u32 @!p1 $0x380, s13  }
0x109: {  	[sflag:s7] =	ssyncset.done $0x0;
	s12 =	sor.u32 @!p1 s13, s12  }
0x10a: {  	[sflag:s7] =	ssyncadd.s32 $0xFFFF4000;
	s12 =	sshrl.u32 @!p1 s12, $0x3  }
0x10b: {  	s14 =	simm.s32 @!p1 $0x80;
	s13 =	simm.s32 @!p1 $0x400;
	s12 =	sadd.s32 @!p1 s1, s12  }
0x10c: {  	[tilespmem:s14], [sflag:$0x1] =	stream.strided.gather @!p1 [hbm4b:s12+s14], $0xC000, s13, s14, $0x38;
	[tilespmem:$0xC080] =	vst v63  }
0x10d: {  	s12 =	simm.s32 @!p1 $0x1  }
0x10e: {  	_ =	swait.ge @!p1 [sflag:s12], $0xC000  }
0x10f: {  	(v2sf) =	vpush v0, $0xB;
	_ =	sdelay $0xe  }
0x110: {  	s16 =	spop (v2sf)  }
0x111: {  	s17 =	sshrl.u32 s16, $0x3  }
0x112: {  	s13 =	sshll.u32 s16, $0x7;
	s14 =	smul.u32 $0x60000, s17  }
0x113: {  	s13 =	sand.u32 $0x380, s13  }
0x114: {  	s13 =	sor.u32 s13, s14  }
0x115: {  	[sflag:s12] =	ssyncset.done @!p1 $0x0;
	s13 =	sshrl.u32 s13, $0x3  }
0x116: {  	[sflag:s12] =	ssyncadd.s32 @!p1 $0xFFFF4000;
	s18 =	sadd.s32 s2, s13  }
0x117: {  	[hbm4b:s18+s9] =	stream.strided.scatter [tilespmem:s9], [sflag:$0x1], $0xC000, s8, s9, $0x38;
	[tilespmem:$0xC080] =	vst v63  }
0x118: {  	_ =	swait.ge [sflag:s7], $0xC000  }
0x119: {  	(v2sf) =	vpush v1, $0xC;
	_ =	sdelay $0xe  }
0x11a: {  	s12 =	spop (v2sf)  }
0x11b: {  	p1 =	seq.s32 s12, s11  }
0x11c: {  	s11 =	sshrl.u32 @!p1 s12, $0x3  }
0x11d: {  	s13 =	sshll.u32 @!p1 s12, $0x7;
	s11 =	smul.u32 @!p1 $0x60000, s11  }
0x11e: {  	s13 =	sand.u32 @!p1 $0x380, s13  }
0x11f: {  	[sflag:s7] =	ssyncset.done $0x0;
	s11 =	sor.u32 @!p1 s13, s11  }
0x120: {  	[sflag:s7] =	ssyncadd.s32 $0xFFFF4000;
	s11 =	sshrl.u32 @!p1 s11, $0x3  }
0x121: {  	s14 =	simm.s32 @!p1 $0x80;
	s13 =	simm.s32 @!p1 $0x400;
	s11 =	sadd.s32 @!p1 s1, s11  }
0x122: {  	[tilespmem:s14], [sflag:$0x1] =	stream.strided.gather @!p1 [hbm4b:s11+s14], $0xC000, s13, s14, $0x38;
	[tilespmem:$0xC080] =	vst v63  }
0x123: {  	s11 =	simm.s32 @!p1 $0x1  }
0x124: {  	_ =	swait.ge @!p1 [sflag:s11], $0xC000  }
0x125: {  	(v2sf) =	vpush v0, $0xC;
	_ =	sdelay $0xe  }
0x126: {  	s19 =	spop (v2sf)  }
0x127: {  	s20 =	sshrl.u32 s19, $0x3  }
0x128: {  	s13 =	sshll.u32 s19, $0x7;
	s14 =	smul.u32 $0x60000, s20  }
0x129: {  	s13 =	sand.u32 $0x380, s13  }
0x12a: {  	s13 =	sor.u32 s13, s14  }
0x12b: {  	[sflag:s11] =	ssyncset.done @!p1 $0x0;
	s13 =	sshrl.u32 s13, $0x3  }
0x12c: {  	[sflag:s11] =	ssyncadd.s32 @!p1 $0xFFFF4000;
	s21 =	sadd.s32 s2, s13  }
0x12d: {  	[hbm4b:s21+s9] =	stream.strided.scatter [tilespmem:s9], [sflag:$0x1], $0xC000, s8, s9, $0x38;
	[tilespmem:$0xC080] =	vst v63  }
0x12e: {  	_ =	swait.ge [sflag:s7], $0xC000  }
0x12f: {  	(v2sf) =	vpush v1, $0xD;
	_ =	sdelay $0xe  }
0x130: {  	s11 =	spop (v2sf)  }
0x131: {  	p1 =	seq.s32 s11, s12  }
0x132: {  	s12 =	sshrl.u32 @!p1 s11, $0x3  }
0x133: {  	s13 =	sshll.u32 @!p1 s11, $0x7;
	s12 =	smul.u32 @!p1 $0x60000, s12  }
0x134: {  	s13 =	sand.u32 @!p1 $0x380, s13  }
0x135: {  	[sflag:s7] =	ssyncset.done $0x0;
	s12 =	sor.u32 @!p1 s13, s12  }
0x136: {  	[sflag:s7] =	ssyncadd.s32 $0xFFFF4000;
	s12 =	sshrl.u32 @!p1 s12, $0x3  }
0x137: {  	s14 =	simm.s32 @!p1 $0x80;
	s13 =	simm.s32 @!p1 $0x400;
	s12 =	sadd.s32 @!p1 s1, s12  }
0x138: {  	[tilespmem:s14], [sflag:$0x1] =	stream.strided.gather @!p1 [hbm4b:s12+s14], $0xC000, s13, s14, $0x38;
	[tilespmem:$0xC080] =	vst v63  }
0x139: {  	s12 =	simm.s32 @!p1 $0x1  }
0x13a: {  	_ =	swait.ge @!p1 [sflag:s12], $0xC000  }
0x13b: {  	(v2sf) =	vpush v0, $0xD;
	_ =	sdelay $0xe  }
0x13c: {  	s22 =	spop (v2sf)  }
0x13d: {  	s23 =	sshrl.u32 s22, $0x3  }
0x13e: {  	s13 =	sshll.u32 s22, $0x7;
	s14 =	smul.u32 $0x60000, s23  }
0x13f: {  	s13 =	sand.u32 $0x380, s13  }
0x140: {  	s13 =	sor.u32 s13, s14  }
0x141: {  	[sflag:s12] =	ssyncset.done @!p1 $0x0;
	s13 =	sshrl.u32 s13, $0x3  }
0x142: {  	[sflag:s12] =	ssyncadd.s32 @!p1 $0xFFFF4000;
	s24 =	sadd.s32 s2, s13  }
0x143: {  	[hbm4b:s24+s9] =	stream.strided.scatter [tilespmem:s9], [sflag:$0x1], $0xC000, s8, s9, $0x38;
	[tilespmem:$0xC080] =	vst v63  }
0x144: {  	_ =	swait.ge [sflag:s7], $0xC000  }
0x145: {  	(v2sf) =	vpush v1, $0xE;
	_ =	sdelay $0xe  }
0x146: {  	s12 =	spop (v2sf)  }
0x147: {  	p1 =	seq.s32 s12, s11  }
0x148: {  	s11 =	sshrl.u32 @!p1 s12, $0x3  }
0x149: {  	s13 =	sshll.u32 @!p1 s12, $0x7;
	s11 =	smul.u32 @!p1 $0x60000, s11  }
0x14a: {  	s13 =	sand.u32 @!p1 $0x380, s13  }
0x14b: {  	[sflag:s7] =	ssyncset.done $0x0;
	s11 =	sor.u32 @!p1 s13, s11  }
0x14c: {  	[sflag:s7] =	ssyncadd.s32 $0xFFFF4000;
	s11 =	sshrl.u32 @!p1 s11, $0x3  }
0x14d: {  	s14 =	simm.s32 @!p1 $0x80;
	s13 =	simm.s32 @!p1 $0x400;
	s11 =	sadd.s32 @!p1 s1, s11  }
0x14e: {  	[tilespmem:s14], [sflag:$0x1] =	stream.strided.gather @!p1 [hbm4b:s11+s14], $0xC000, s13, s14, $0x38;
	[tilespmem:$0xC080] =	vst v63  }
0x14f: {  	s11 =	simm.s32 @!p1 $0x1  }
0x150: {  	_ =	swait.ge @!p1 [sflag:s11], $0xC000  }
0x151: {  	(v2sf) =	vpush v0, $0xE;
	_ =	sdelay $0xe  }
0x152: {  	s25 =	spop (v2sf)  }
0x153: {  	s26 =	sshrl.u32 s25, $0x3  }
0x154: {  	s13 =	sshll.u32 s25, $0x7;
	s14 =	smul.u32 $0x60000, s26  }
0x155: {  	s13 =	sand.u32 $0x380, s13  }
0x156: {  	s13 =	sor.u32 s13, s14  }
0x157: {  	[sflag:s11] =	ssyncset.done @!p1 $0x0;
	s13 =	sshrl.u32 s13, $0x3  }
0x158: {  	[sflag:s11] =	ssyncadd.s32 @!p1 $0xFFFF4000;
	s28 =	sadd.s32 s2, s13  }
0x159: {  	[hbm4b:s28+s9] =	stream.strided.scatter [tilespmem:s9], [sflag:$0x1], $0xC000, s8, s9, $0x38;
	[tilespmem:$0xC080] =	vst v63  }
0x15a: {  	_ =	swait.ge [sflag:s7], $0xC000  }
0x15b: {  	(v2sf) =	vpush v1, $0xF;
	_ =	sdelay $0xe  }
0x15c: {  	s11 =	spop (v2sf)  }
0x15d: {  	p1 =	seq.s32 s11, s12  }
0x15e: {  	s12 =	sshrl.u32 @!p1 s11, $0x3  }
0x15f: {  	s13 =	sshll.u32 @!p1 s11, $0x7;
	s12 =	smul.u32 @!p1 $0x60000, s12  }
0x160: {  	s13 =	sand.u32 @!p1 $0x380, s13  }
0x161: {  	[sflag:s7] =	ssyncset.done $0x0;
	s12 =	sor.u32 @!p1 s13, s12  }
0x162: {  	[sflag:s7] =	ssyncadd.s32 $0xFFFF4000;
	s12 =	sshrl.u32 @!p1 s12, $0x3  }
0x163: {  	s14 =	simm.s32 @!p1 $0x80;
	s13 =	simm.s32 @!p1 $0x400;
	s12 =	sadd.s32 @!p1 s1, s12  }
0x164: {  	[tilespmem:s14], [sflag:$0x1] =	stream.strided.gather @!p1 [hbm4b:s12+s14], $0xC000, s13, s14, $0x38;
	[tilespmem:$0xC080] =	vst v63  }
0x165: {  	s12 =	simm.s32 @!p1 $0x1  }
0x166: {  	_ =	swait.ge @!p1 [sflag:s12], $0xC000  }
0x167: {  	(v2sf) =	vpush v0, $0xF;
	_ =	sdelay $0xe  }
0x168: {  	s29 =	spop (v2sf)  }
0x169: {  	s30 =	sshrl.u32 s29, $0x3  }
0x16a: {  	s13 =	sshll.u32 s29, $0x7;
	s14 =	smul.u32 $0x60000, s30  }
0x16b: {  	s13 =	sand.u32 $0x380, s13  }
0x16c: {  	[sflag:s12] =	ssyncset.done @!p1 $0x0;
	s13 =	sor.u32 s13, s14  }
0x16d: {  	[sflag:s12] =	ssyncadd.s32 @!p1 $0xFFFF4000;
	p1 =	por p0, p0;
	s13 =	sshrl.u32 s13, $0x3  }
.Ltmp0:
0x16e: {  	s31 =	sadd.s32 s2, s13;
	(pc) =	sbr.rel @p1 .LBB2_2-.Ltmp0, $4  }
0x16f: {  	[hbm4b:s31+s9] =	stream.strided.scatter [tilespmem:s9], [sflag:$0x1], $0xC000, s8, s9, $0x38;
	[tilespmem:$0xC080] =	vst v63  }
0x170: {  	_ =	swait.ge [sflag:s7], $0xC000  }
0x171: {  	[sflag:s7] =	ssyncset.done $0x0  }
0x172: {  	s12 =	simm.s32 $0x40;
	p0 =	por $0x0, $0x0;
	[sflag:s7] =	ssyncadd.s32 $0xFFFF4000  }
0x173: {  	s10 =	sadd.s32 $0x1, s10  }
0x174: {  	p0 =	sne.s32 s10, s6  }
.Ltmp1:
0x175: {  	_ = 	snop;
	(pc) =	sbr.rel @p0 .LBB2_1-.Ltmp1, $1  }
0x176: {  	_ =	sdelay $0x3  }
0x177: {  	_ =	sfence.sel $0x180000  }
0x178: {  	[bflag:$0x0] =	sbarrier.arrive $0xFFFF  }
0x179: {  	p0 =	sne.s32 s4, $0x0;
	_ =	strace $0x90000047  }
0x17a: {  	s0 =	sadd.s32 @!p0 $0x100000, s0;
	[bflag:$0x2] =	sbarrier.arrive $0xFFFF  }
0x17b: {  	[sflag:s0] =	ssyncadd.tile.s32 @!p0 $0x1;
	_ =	shalt  }
.Lfunc_end2:
_tile_overlayer_lowered:
.L_overlay_start_2:
0x17c: {  	(tag) =	ssettag $0x2  }
0x17d: {  	s0 =	rddreg [dreg:$0x0];
	s2 =	stileid.u32  }
0x17e: {  	s1 =	rddreg [dreg:$0x1];
	p0 =	sne.s32 s2, $0x0  }
0x17f: {  	s3 =	rddreg [dreg:$0x2];
	[bflag:$0x3] =	sbarrier.arrive $0xFFFF;
	s2 =	simm.s32 @!p0 $0x1C01  }
0x180: {  	[timem:s3], [sflag:s2] =	dma.local @!p0 [hbm:s0], s1  }
0x181: {  	s0 =	simm.s32 @!p0 $0x1  }
0x182: {  	_ =	swait.ge @!p0 [sflag:s0], s1  }
0x183: {  	s1 =	ssub.s32 @!p0 $0x0, s1;
	[sflag:s0] =	ssyncset.done @!p0 $0x0  }
0x184: {  	[sflag:s0] =	ssyncadd.s32 @!p0 s1  }
0x185: {  	[bflag:$0x3] =	sbarrier.arrive $0xFFFF  }
0x186: {  	_ =	shalt  }

</sc_bundles>
